<compile_context>
chip_gen: v7x
topology: tpu7x:2x2x1
jax: 0.10.2.dev20260603
libtpu: 0.0.44.dev20260713+nightly
codegen_flags: <defaults>
</compile_context>

<pallas_src>
import functools

import numpy as np
import jax
import jax.numpy as jnp
from jax import lax
from jax.experimental import pallas as pl
from jax.experimental.pallas import tpu as pltpu
from jax.experimental.pallas import tpu_sc as plsc

HIDDEN = 64
HPAD = 128
SEQ_LEN = 200
BATCH = 4096

NC = 2
NS = 16
NW = NC * NS
BTILE = BATCH // NW


def _pe_table() -> np.ndarray:
    seq_pos = np.arange(SEQ_LEN, dtype=np.float32) + 1.0
    power = np.arange(0, HIDDEN, 2, dtype=np.float32) / HIDDEN
    divisor = 10000.0 ** power
    ang = seq_pos[:, None] / divisor[None, :]
    pe = np.stack((np.sin(ang), np.cos(ang)), axis=-1)
    pe = pe.reshape(SEQ_LEN, HIDDEN)
    return np.ascontiguousarray(pe.reshape(SEQ_LEN // 2, 2 * HIDDEN))


_PE = _pe_table()


def _sc_body(idx_hbm, table_hbm, pe_hbm, out_hbm,
             idx_v, rows_v, trans_v, pe_v, gsem0, gsem1, osem0, osem1):
    wid = lax.axis_index("s") * NC + lax.axis_index("c")
    col0 = wid * BTILE
    gsem = (gsem0, gsem1)
    osem = (osem0, osem1)
    pltpu.sync_copy(pe_hbm, pe_v)
    pltpu.sync_copy(
        idx_hbm.at[pl.ds(0, SEQ_LEN), pl.ds(col0, BTILE)], idx_v)

    def gdesc(l, b):
        return pltpu.make_async_copy(
            table_hbm.at[idx_v.at[l]], rows_v.at[b], gsem[b])

    def odesc(l, b):
        return pltpu.make_async_copy(
            trans_v.at[b],
            out_hbm.at[l, pl.ds(0, HIDDEN), pl.ds(col0, BTILE)],
            osem[b])

    IOTA = lax.iota(jnp.int32, 16)

    gdesc(0, 0).start()

    @pl.loop(0, SEQ_LEN, step=2)
    def _pos2(l0):
        for u in range(2):
            l = l0 + u
            b = u
            if u == 0:
                gdesc(l + 1, 1 - b).start()

                @pl.when(l >= 2)
                def _():
                    odesc(l - 2, b).wait()
            else:
                @pl.when(l + 1 < SEQ_LEN)
                def _():
                    gdesc(l + 1, 1 - b).start()

                @pl.when(l >= 2)
                def _():
                    odesc(l - 2, b).wait()

            gdesc(l, b).wait()

            p0 = (l % 2) * HIDDEN
            pe_vecs = [pe_v[l // 2, pl.ds(p0 + 16 * h0, 16)]
                       for h0 in range(HIDDEN // 16)]

            @pl.loop(0, BTILE, step=8)
            def _pe(bb0):
                for k in range(8):
                    for h0 in range(HIDDEN // 16):
                        plsc.addupdate(
                            rows_v.at[b, bb0 + k, pl.ds(16 * h0, 16)],
                            pe_vecs[h0])

            @pl.loop(0, (BTILE // 16) * (HIDDEN // 16))
            def _blk(blk):
                g = blk // (HIDDEN // 16)
                h0m = blk % (HIDDEN // 16)
                rowv = jnp.full((16,), g * 16, jnp.int32) + IOTA
                colb = jnp.full((16,), h0m * 16, jnp.int32)
                for k0 in range(0, 16, 4):
                    crs, vals = [], []
                    for k in range(k0, k0 + 4):
                        rot = (IOTA + k) & 15
                        crs.append(colb + rot)
                        vals.append(
                            plsc.load_gather(rows_v.at[b], [rowv, crs[-1]]))
                    for cr, v in zip(crs, vals):
                        plsc.store_scatter(trans_v.at[b], [cr, rowv], v)

            odesc(l, b).start()

    odesc(SEQ_LEN - 2, 0).wait()
    odesc(SEQ_LEN - 1, 1).wait()


@jax.jit
def _sc_embed(idx, table, pe):
    mesh = plsc.VectorSubcoreMesh(
        core_axis_name="c", subcore_axis_name="s", num_cores=NC, num_subcores=NS)
    fn = functools.partial(
        pl.kernel,
        out_type=jax.ShapeDtypeStruct((SEQ_LEN, HIDDEN, BATCH), jnp.float32),
        mesh=mesh,
        scratch_types=[
            pltpu.VMEM((SEQ_LEN, BTILE), jnp.int32),
            pltpu.VMEM((2, BTILE, HPAD), jnp.float32),
            pltpu.VMEM((2, HIDDEN, BTILE), jnp.float32),
            pltpu.VMEM((SEQ_LEN // 2, 2 * HIDDEN), jnp.float32),
            pltpu.SemaphoreType.DMA,
            pltpu.SemaphoreType.DMA,
            pltpu.SemaphoreType.DMA,
            pltpu.SemaphoreType.DMA,
        ],
        compiler_params=pltpu.CompilerParams(
            use_tc_tiling_on_sc=True, needs_layout_passes=False),
    )(_sc_body)
    return fn(idx, table, pe)


def kernel(inputs, table):
    idx = inputs.T.astype(jnp.int32)
    table = jnp.pad(table.astype(jnp.float32), ((0, 0), (0, HPAD - HIDDEN)))
    pe = jnp.asarray(_PE, dtype=jnp.float32)
    out = _sc_embed(idx, table, pe)
    return jnp.transpose(out, (2, 0, 1))

# --- scband reference (transcript-rebuilt; emitter-appended) ---
"""Pipeline reference for scband-position-embedding-5317169513066 (READ-ONLY COPY).

The authoritative reference and input builder live on the scoring server;
editing this copy changes nothing except your own understanding.
"""

import jax, jax.numpy as jnp
import numpy as np

HIDDEN = 64
N_SYMBOLS = 100000
BATCH = 4096
SEQ_LEN = 200


def _position_embedding(seq_len, hidden):
    # Sinusoidal encoding, positions start at 1 (0 reserved for padding)
    seq_pos = jnp.arange(seq_len, dtype=jnp.float32)[None, :] + 1.0  # [1, L]
    power = jnp.arange(0, hidden, 2, dtype=jnp.float32) / hidden      # [H/2]
    divisor = 10000.0 ** power                                        # [H/2]
    ang = seq_pos[:, :, None] / divisor                               # [1, L, H/2]
    sin_e = jnp.sin(ang)
    cos_e = jnp.cos(ang)
    pe = jnp.stack((sin_e, cos_e), axis=-1)                           # [1, L, H/2, 2]
    pe = jnp.reshape(pe, (1, seq_len, hidden))                        # interleaved sin/cos
    return pe


def setup_inputs(seed: int = 0) -> dict:
    key = jax.random.key(seed)
    k1, k2 = jax.random.split(key)
    inputs = jax.random.randint(k1, (BATCH, SEQ_LEN), 0, N_SYMBOLS + 1)
    # Embedding table has n_symbols + 1 rows (index 0 is padding/mask row)
    table = jax.random.normal(k2, (N_SYMBOLS + 1, HIDDEN), dtype=jnp.float32) * 0.05
    return {"inputs": inputs, "table": table}


def reference(inputs, table):
    pe = _position_embedding(SEQ_LEN, HIDDEN)          # [1, L, H]
    emb = jnp.take(table, inputs, axis=0)              # [B, L, H] gather
    out = emb + pe
    return out

if __name__ == "__main__":
    import jax
    _d = setup_inputs()
    print(jax.jit(kernel)(*tuple(_d.values())))

</pallas_src>

<mosaic_0001>
#map = affine_map<(d0, d1) -> (0, 0)>
#map1 = affine_map<(d0, d1) -> (0, 0, 0)>
module attributes {stable_mosaic.version = 14 : i64} {
  func.func @_sc_body(%arg0: i32, %arg1: i32, %arg2: memref<200x4096xi32, #tpu.memory_space<hbm>>, %arg3: memref<100001x128xf32, #tpu.memory_space<hbm>>, %arg4: memref<100x128xf32, #tpu.memory_space<hbm>>, %arg5: memref<200x64x4096xf32, #tpu.memory_space<hbm>>, %arg6: memref<200x128xi32, #tpu.memory_space<vmem>>, %arg7: memref<2x128x128xf32, #tpu.memory_space<vmem>>, %arg8: memref<2x64x128xf32, #tpu.memory_space<vmem>>, %arg9: memref<100x128xf32, #tpu.memory_space<vmem>>, %arg10: memref<!tpu.dma_semaphore, #tpu.memory_space<semaphore_mem>>, %arg11: memref<!tpu.dma_semaphore, #tpu.memory_space<semaphore_mem>>, %arg12: memref<!tpu.dma_semaphore, #tpu.memory_space<semaphore_mem>>, %arg13: memref<!tpu.dma_semaphore, #tpu.memory_space<semaphore_mem>>) attributes {dimension_semantics = [#tpu.dimension_semantics<core_parallel>, #tpu.dimension_semantics<subcore_parallel>], iteration_bounds = array<i64: 2, 16>, scalar_prefetch = 0 : i64, scratch_operands = 8 : i64, tpu.core_type = #tpu.core_type<sc_vector_subcore>, window_params = [{transform_indices = #map}, {transform_indices = #map}, {transform_indices = #map}, {transform_indices = #map1}]} {
    %mul3A = arith.constant 2 : i32
    %mul3A_0 = arith.muli %arg1, %mul3A : i32
    %add3A = arith.addi %mul3A_0, %arg0 : i32
    %mul3A_1 = arith.constant 128 : i32
    %mul3A_2 = arith.muli %add3A, %mul3A_1 : i32
    "tpu.region"() ({
      %run_scoped3A = tpu.sem_alloc : memref<!tpu.dma_semaphore, #tpu.memory_space<semaphore_mem>>
      tpu.enqueue_dma source(%arg4 : memref<100x128xf32, #tpu.memory_space<hbm>>) target(%arg9 : memref<100x128xf32, #tpu.memory_space<vmem>>) target_semaphore(%run_scoped3A : memref<!tpu.dma_semaphore, #tpu.memory_space<semaphore_mem>>)
      tpu.wait_dma2 semaphore(%run_scoped3A : memref<!tpu.dma_semaphore, #tpu.memory_space<semaphore_mem>>) src(%arg4 : memref<100x128xf32, #tpu.memory_space<hbm>>) dst(%arg9 : memref<100x128xf32, #tpu.memory_space<vmem>>)
      tpu.yield
    }) : () -> ()
    "tpu.region"() ({
      %run_scoped3A = tpu.sem_alloc : memref<!tpu.dma_semaphore, #tpu.memory_space<semaphore_mem>>
      %dma_start3A_49 = arith.constant 0 : i32
      %dma_start3A_50 = tpu.memref_slice %arg2[%dma_start3A_49, %mul3A_2] : memref<200x4096xi32, #tpu.memory_space<hbm>> -> memref<200x128xi32, #tpu.memory_space<hbm>>
      %dma_start3A_51 = arith.constant 0 : i32
      %dma_start3A_52 = tpu.memref_slice %arg2[%dma_start3A_51, %mul3A_2] : memref<200x4096xi32, #tpu.memory_space<hbm>> -> memref<200x128xi32, #tpu.memory_space<hbm>>
      tpu.enqueue_dma source(%dma_start3A_52 : memref<200x128xi32, #tpu.memory_space<hbm>>) target(%arg6 : memref<200x128xi32, #tpu.memory_space<vmem>>) target_semaphore(%run_scoped3A : memref<!tpu.dma_semaphore, #tpu.memory_space<semaphore_mem>>)
      %dma_wait3A_53 = arith.constant 0 : i32
      %dma_wait3A_54 = tpu.memref_slice %arg2[%dma_wait3A_53, %mul3A_2] : memref<200x4096xi32, #tpu.memory_space<hbm>> -> memref<200x128xi32, #tpu.memory_space<hbm>>
      %dma_wait3A_55 = arith.constant 0 : i32
      %dma_wait3A_56 = tpu.memref_slice %arg2[%dma_wait3A_55, %mul3A_2] : memref<200x4096xi32, #tpu.memory_space<hbm>> -> memref<200x128xi32, #tpu.memory_space<hbm>>
      tpu.wait_dma2 semaphore(%run_scoped3A : memref<!tpu.dma_semaphore, #tpu.memory_space<semaphore_mem>>) src(%dma_wait3A_56 : memref<200x128xi32, #tpu.memory_space<hbm>>) dst(%arg6 : memref<200x128xi32, #tpu.memory_space<vmem>>)
      tpu.yield
    }) : () -> ()
    %iota3A = tpu.iota {dimensions = array<i32: 0>} : vector<16xi32>
    %dma_start3A = arith.constant 0 : i32
    %dma_start3A_3 = arith.constant 0 : i32
    %dma_start3A_4 = arith.constant 0 : i32
    %dma_start3A_5 = arith.constant 0 : i32
    %dma_start3A_6 = tpu.memref_slice %arg7[%dma_start3A_3, %dma_start3A_4, %dma_start3A_5] : memref<2x128x128xf32, #tpu.memory_space<vmem>> -> memref<1x128x128xf32, #tpu.memory_space<vmem>>
    %dma_start3A_7 = tpu.memref_squeeze %dma_start3A_6 : memref<1x128x128xf32, #tpu.memory_space<vmem>> -> memref<128x128xf32, #tpu.memory_space<vmem>>
    %dma_start3A_8 = arith.constant 0 : i32
    %dma_start3A_9 = tpu.memref_slice %arg6[%dma_start3A, %dma_start3A_8] : memref<200x128xi32, #tpu.memory_space<vmem>> -> memref<1x128xi32, #tpu.memory_space<vmem>>
    %dma_start3A_10 = tpu.memref_squeeze %dma_start3A_9 : memref<1x128xi32, #tpu.memory_space<vmem>> -> memref<128xi32, #tpu.memory_space<vmem>>
    %dma_start3A_11 = arith.constant 0 : i32
    %dma_start3A_12 = arith.constant 0 : i32
    %dma_start3A_13 = tpu.memref_slice %arg3[%dma_start3A_11, %dma_start3A_12] : memref<100001x128xf32, #tpu.memory_space<hbm>> -> memref<100001x128xf32, #tpu.memory_space<hbm>>
    tpu.enqueue_indirect_dma source(%dma_start3A_13 : memref<100001x128xf32, #tpu.memory_space<hbm>>) target(%dma_start3A_7 : memref<128x128xf32, #tpu.memory_space<vmem>>) offsets(%dma_start3A_10 : memref<128xi32, #tpu.memory_space<vmem>>) semaphore(%arg10 : memref<!tpu.dma_semaphore, #tpu.memory_space<semaphore_mem>>)
    %scan3A = arith.constant 0 : i32
    %scan3A_14 = arith.constant 100 : i32
    %scan3A_15 = arith.addi %scan3A, %scan3A_14 : i32
    %scan3A_16 = arith.constant 1 : i32
    scf.for %scan3A_49 = %scan3A to %scan3A_15 step %scan3A_16  : i32 {
      %mul3A_50 = arith.constant 2 : i32
      %mul3A_51 = arith.muli %scan3A_49, %mul3A_50 : i32
      %add3A_52 = arith.constant 0 : i32
      %add3A_53 = arith.addi %add3A_52, %mul3A_51 : i32
      %add3A_54 = arith.constant 0 : i32
      %add3A_55 = arith.addi %add3A_53, %add3A_54 : i32
      %add3A_56 = arith.constant 1 : i32
      %add3A_57 = arith.addi %add3A_55, %add3A_56 : i32
      %dma_start3A_58 = arith.constant 1 : i32
      %dma_start3A_59 = arith.constant 0 : i32
      %dma_start3A_60 = arith.constant 0 : i32
      %dma_start3A_61 = tpu.memref_slice %arg7[%dma_start3A_58, %dma_start3A_59, %dma_start3A_60] : memref<2x128x128xf32, #tpu.memory_space<vmem>> -> memref<1x128x128xf32, #tpu.memory_space<vmem>>
      %dma_start3A_62 = tpu.memref_squeeze %dma_start3A_61 : memref<1x128x128xf32, #tpu.memory_space<vmem>> -> memref<128x128xf32, #tpu.memory_space<vmem>>
      %dma_start3A_63 = arith.constant 0 : i32
      %dma_start3A_64 = tpu.memref_slice %arg6[%add3A_57, %dma_start3A_63] : memref<200x128xi32, #tpu.memory_space<vmem>> -> memref<1x128xi32, #tpu.memory_space<vmem>>
      %dma_start3A_65 = tpu.memref_squeeze %dma_start3A_64 : memref<1x128xi32, #tpu.memory_space<vmem>> -> memref<128xi32, #tpu.memory_space<vmem>>
      %dma_start3A_66 = arith.constant 0 : i32
      %dma_start3A_67 = arith.constant 0 : i32
      %dma_start3A_68 = tpu.memref_slice %arg3[%dma_start3A_66, %dma_start3A_67] : memref<100001x128xf32, #tpu.memory_space<hbm>> -> memref<100001x128xf32, #tpu.memory_space<hbm>>
      tpu.enqueue_indirect_dma source(%dma_start3A_68 : memref<100001x128xf32, #tpu.memory_space<hbm>>) target(%dma_start3A_62 : memref<128x128xf32, #tpu.memory_space<vmem>>) offsets(%dma_start3A_65 : memref<128xi32, #tpu.memory_space<vmem>>) semaphore(%arg11 : memref<!tpu.dma_semaphore, #tpu.memory_space<semaphore_mem>>)
      %ge3A = arith.constant 2 : i32
      %ge3A_69 = arith.cmpi sge, %add3A_55, %ge3A : i32
      %convert_element_type3A = arith.extui %ge3A_69 : i1 to i32
      %cond3A = arith.constant 0 : i32
      %cond3A_70 = arith.cmpi ne, %convert_element_type3A, %cond3A : i32
      scf.if %cond3A_70 {
        %sub3A_414 = arith.constant 2 : i32
        %sub3A_415 = arith.subi %add3A_55, %sub3A_414 : i32
        %dma_wait3A_416 = arith.constant 0 : i32
        %dma_wait3A_417 = arith.constant 0 : i32
        %dma_wait3A_418 = arith.constant 0 : i32
        %dma_wait3A_419 = tpu.memref_slice %arg8[%dma_wait3A_416, %dma_wait3A_417, %dma_wait3A_418] : memref<2x64x128xf32, #tpu.memory_space<vmem>> -> memref<1x64x128xf32, #tpu.memory_space<vmem>>
        %dma_wait3A_420 = tpu.memref_squeeze %dma_wait3A_419 : memref<1x64x128xf32, #tpu.memory_space<vmem>> -> memref<64x128xf32, #tpu.memory_space<vmem>>
        %dma_wait3A_421 = arith.constant 0 : i32
        %dma_wait3A_422 = tpu.memref_slice %arg5[%sub3A_415, %dma_wait3A_421, %mul3A_2] : memref<200x64x4096xf32, #tpu.memory_space<hbm>> -> memref<1x64x128xf32, #tpu.memory_space<hbm>>
        %dma_wait3A_423 = tpu.memref_squeeze %dma_wait3A_422 : memref<1x64x128xf32, #tpu.memory_space<hbm>> -> memref<64x128xf32, #tpu.memory_space<hbm>>
        %dma_wait3A_424 = arith.constant 0 : i32
        %dma_wait3A_425 = tpu.memref_slice %arg5[%sub3A_415, %dma_wait3A_424, %mul3A_2] : memref<200x64x4096xf32, #tpu.memory_space<hbm>> -> memref<1x64x128xf32, #tpu.memory_space<hbm>>
        %dma_wait3A_426 = tpu.memref_squeeze %dma_wait3A_425 : memref<1x64x128xf32, #tpu.memory_space<hbm>> -> memref<64x128xf32, #tpu.memory_space<hbm>>
        %dma_wait3A_427 = arith.constant 0 : i32
        %dma_wait3A_428 = arith.constant 0 : i32
        %dma_wait3A_429 = tpu.memref_slice %arg8[%dma_wait3A_416, %dma_wait3A_427, %dma_wait3A_428] : memref<2x64x128xf32, #tpu.memory_space<vmem>> -> memref<1x64x128xf32, #tpu.memory_space<vmem>>
        %dma_wait3A_430 = tpu.memref_squeeze %dma_wait3A_429 : memref<1x64x128xf32, #tpu.memory_space<vmem>> -> memref<64x128xf32, #tpu.memory_space<vmem>>
        tpu.wait_dma2 semaphore(%arg12 : memref<!tpu.dma_semaphore, #tpu.memory_space<semaphore_mem>>) src(%dma_wait3A_430 : memref<64x128xf32, #tpu.memory_space<vmem>>) dst(%dma_wait3A_426 : memref<64x128xf32, #tpu.memory_space<hbm>>)
      } else {
      }
      %dma_wait3A_71 = arith.constant 0 : i32
      %dma_wait3A_72 = arith.constant 0 : i32
      %dma_wait3A_73 = arith.constant 0 : i32
      %dma_wait3A_74 = tpu.memref_slice %arg7[%dma_wait3A_71, %dma_wait3A_72, %dma_wait3A_73] : memref<2x128x128xf32, #tpu.memory_space<vmem>> -> memref<1x128x128xf32, #tpu.memory_space<vmem>>
      %dma_wait3A_75 = tpu.memref_squeeze %dma_wait3A_74 : memref<1x128x128xf32, #tpu.memory_space<vmem>> -> memref<128x128xf32, #tpu.memory_space<vmem>>
      %dma_wait3A_76 = arith.constant 0 : i32
      %dma_wait3A_77 = tpu.memref_slice %arg6[%add3A_55, %dma_wait3A_76] : memref<200x128xi32, #tpu.memory_space<vmem>> -> memref<1x128xi32, #tpu.memory_space<vmem>>
      %dma_wait3A_78 = tpu.memref_squeeze %dma_wait3A_77 : memref<1x128xi32, #tpu.memory_space<vmem>> -> memref<128xi32, #tpu.memory_space<vmem>>
      %dma_wait3A_79 = arith.constant 0 : i32
      %dma_wait3A_80 = arith.constant 0 : i32
      %dma_wait3A_81 = tpu.memref_slice %arg3[%dma_wait3A_79, %dma_wait3A_80] : memref<100001x128xf32, #tpu.memory_space<hbm>> -> memref<100001x128xf32, #tpu.memory_space<hbm>>
      tpu.wait_indirect_dma semaphore(%arg10 : memref<!tpu.dma_semaphore, #tpu.memory_space<semaphore_mem>>) src(%dma_wait3A_81 : memref<100001x128xf32, #tpu.memory_space<hbm>>) dst(%dma_wait3A_75 : memref<128x128xf32, #tpu.memory_space<vmem>>)
      %jit3A = arith.constant 2 : i32
      %eq3A = arith.constant 0 : i32
      %eq3A_82 = arith.cmpi eq, %jit3A, %eq3A : i32
      %jit3A_83 = arith.constant 1 : i32
      %select_n3A = arith.select %eq3A_82, %jit3A_83, %jit3A : i32
      %rem3A = arith.remsi %add3A_55, %select_n3A : i32
      %ne3A = arith.constant 0 : i32
      %ne3A_84 = arith.cmpi ne, %rem3A, %ne3A : i32
      %lt3A = arith.constant 0 : i32
      %lt3A_85 = arith.cmpi slt, %rem3A, %lt3A : i32
      %lt3A_86 = arith.constant 0 : i32
      %lt3A_87 = arith.cmpi slt, %select_n3A, %lt3A_86 : i32
      %ne3A_88 = arith.xori %lt3A_85, %lt3A_87 : i1
      %and3A = arith.andi %ne3A_88, %ne3A_84 : i1
      %add3A_89 = arith.addi %rem3A, %select_n3A : i32
      %select_n3A_90 = arith.select %and3A, %add3A_89, %rem3A : i32
      %mul3A_91 = arith.constant 64 : i32
      %mul3A_92 = arith.muli %select_n3A_90, %mul3A_91 : i32
      %jit3A_93 = arith.constant 2 : i32
      %div3A = arith.divsi %add3A_55, %jit3A_93 : i32
      %sign3A = arith.constant 0 : i32
      %sign3A_94 = arith.cmpi sgt, %add3A_55, %sign3A : i32
      %sign3A_95 = arith.extui %sign3A_94 : i1 to i32
      %sign3A_96 = arith.constant 0 : i32
      %sign3A_97 = arith.cmpi slt, %add3A_55, %sign3A_96 : i32
      %sign3A_98 = arith.extui %sign3A_97 : i1 to i32
      %sign3A_99 = arith.subi %sign3A_95, %sign3A_98 : i32
      %sign3A_100 = arith.constant 0 : i32
      %sign3A_101 = arith.cmpi sgt, %jit3A_93, %sign3A_100 : i32
      %sign3A_102 = arith.extui %sign3A_101 : i1 to i32
      %sign3A_103 = arith.constant 0 : i32
      %sign3A_104 = arith.cmpi slt, %jit3A_93, %sign3A_103 : i32
      %sign3A_105 = arith.extui %sign3A_104 : i1 to i32
      %sign3A_106 = arith.subi %sign3A_102, %sign3A_105 : i32
      %ne3A_107 = arith.cmpi ne, %sign3A_99, %sign3A_106 : i32
      %rem3A_108 = arith.remsi %add3A_55, %jit3A_93 : i32
      %ne3A_109 = arith.constant 0 : i32
      %ne3A_110 = arith.cmpi ne, %rem3A_108, %ne3A_109 : i32
      %and3A_111 = arith.andi %ne3A_107, %ne3A_110 : i1
      %sub3A = arith.constant 1 : i32
      %sub3A_112 = arith.subi %div3A, %sub3A : i32
      %select_n3A_113 = arith.select %and3A_111, %sub3A_112, %div3A : i32
      %add3A_114 = arith.constant 0 : i32
      %add3A_115 = arith.addi %mul3A_92, %add3A_114 : i32
      %get3A = arith.index_cast %select_n3A_113 : i32 to index
      %get3A_116 = arith.index_cast %add3A_115 : i32 to index
      %get3A_117 = tpu.vector_load %arg9[%get3A, %get3A_116] {strides = array<i32>} : memref<100x128xf32, #tpu.memory_space<vmem>>, vector<16xf32>,
      %jit3A_118 = arith.constant 2 : i32
      %div3A_119 = arith.divsi %add3A_55, %jit3A_118 : i32
      %sign3A_120 = arith.constant 0 : i32
      %sign3A_121 = arith.cmpi sgt, %add3A_55, %sign3A_120 : i32
      %sign3A_122 = arith.extui %sign3A_121 : i1 to i32
      %sign3A_123 = arith.constant 0 : i32
      %sign3A_124 = arith.cmpi slt, %add3A_55, %sign3A_123 : i32
      %sign3A_125 = arith.extui %sign3A_124 : i1 to i32
      %sign3A_126 = arith.subi %sign3A_122, %sign3A_125 : i32
      %sign3A_127 = arith.constant 0 : i32
      %sign3A_128 = arith.cmpi sgt, %jit3A_118, %sign3A_127 : i32
      %sign3A_129 = arith.extui %sign3A_128 : i1 to i32
      %sign3A_130 = arith.constant 0 : i32
      %sign3A_131 = arith.cmpi slt, %jit3A_118, %sign3A_130 : i32
      %sign3A_132 = arith.extui %sign3A_131 : i1 to i32
      %sign3A_133 = arith.subi %sign3A_129, %sign3A_132 : i32
      %ne3A_134 = arith.cmpi ne, %sign3A_126, %sign3A_133 : i32
      %rem3A_135 = arith.remsi %add3A_55, %jit3A_118 : i32
      %ne3A_136 = arith.constant 0 : i32
      %ne3A_137 = arith.cmpi ne, %rem3A_135, %ne3A_136 : i32
      %and3A_138 = arith.andi %ne3A_134, %ne3A_137 : i1
      %sub3A_139 = arith.constant 1 : i32
      %sub3A_140 = arith.subi %div3A_119, %sub3A_139 : i32
      %select_n3A_141 = arith.select %and3A_138, %sub3A_140, %div3A_119 : i32
      %add3A_142 = arith.constant 16 : i32
      %add3A_143 = arith.addi %mul3A_92, %add3A_142 : i32
      %get3A_144 = arith.index_cast %select_n3A_141 : i32 to index
      %get3A_145 = arith.index_cast %add3A_143 : i32 to index
      %get3A_146 = tpu.vector_load %arg9[%get3A_144, %get3A_145] {strides = array<i32>} : memref<100x128xf32, #tpu.memory_space<vmem>>, vector<16xf32>,
      %jit3A_147 = arith.constant 2 : i32
      %div3A_148 = arith.divsi %add3A_55, %jit3A_147 : i32
      %sign3A_149 = arith.constant 0 : i32
      %sign3A_150 = arith.cmpi sgt, %add3A_55, %sign3A_149 : i32
      %sign3A_151 = arith.extui %sign3A_150 : i1 to i32
      %sign3A_152 = arith.constant 0 : i32
      %sign3A_153 = arith.cmpi slt, %add3A_55, %sign3A_152 : i32
      %sign3A_154 = arith.extui %sign3A_153 : i1 to i32
      %sign3A_155 = arith.subi %sign3A_151, %sign3A_154 : i32
      %sign3A_156 = arith.constant 0 : i32
      %sign3A_157 = arith.cmpi sgt, %jit3A_147, %sign3A_156 : i32
      %sign3A_158 = arith.extui %sign3A_157 : i1 to i32
      %sign3A_159 = arith.constant 0 : i32
      %sign3A_160 = arith.cmpi slt, %jit3A_147, %sign3A_159 : i32
      %sign3A_161 = arith.extui %sign3A_160 : i1 to i32
      %sign3A_162 = arith.subi %sign3A_158, %sign3A_161 : i32
      %ne3A_163 = arith.cmpi ne, %sign3A_155, %sign3A_162 : i32
      %rem3A_164 = arith.remsi %add3A_55, %jit3A_147 : i32
      %ne3A_165 = arith.constant 0 : i32
      %ne3A_166 = arith.cmpi ne, %rem3A_164, %ne3A_165 : i32
      %and3A_167 = arith.andi %ne3A_163, %ne3A_166 : i1
      %sub3A_168 = arith.constant 1 : i32
      %sub3A_169 = arith.subi %div3A_148, %sub3A_168 : i32
      %select_n3A_170 = arith.select %and3A_167, %sub3A_169, %div3A_148 : i32
      %add3A_171 = arith.constant 32 : i32
      %add3A_172 = arith.addi %mul3A_92, %add3A_171 : i32
      %get3A_173 = arith.index_cast %select_n3A_170 : i32 to index
      %get3A_174 = arith.index_cast %add3A_172 : i32 to index
      %get3A_175 = tpu.vector_load %arg9[%get3A_173, %get3A_174] {strides = array<i32>} : memref<100x128xf32, #tpu.memory_space<vmem>>, vector<16xf32>,
      %jit3A_176 = arith.constant 2 : i32
      %div3A_177 = arith.divsi %add3A_55, %jit3A_176 : i32
      %sign3A_178 = arith.constant 0 : i32
      %sign3A_179 = arith.cmpi sgt, %add3A_55, %sign3A_178 : i32
      %sign3A_180 = arith.extui %sign3A_179 : i1 to i32
      %sign3A_181 = arith.constant 0 : i32
      %sign3A_182 = arith.cmpi slt, %add3A_55, %sign3A_181 : i32
      %sign3A_183 = arith.extui %sign3A_182 : i1 to i32
      %sign3A_184 = arith.subi %sign3A_180, %sign3A_183 : i32
      %sign3A_185 = arith.constant 0 : i32
      %sign3A_186 = arith.cmpi sgt, %jit3A_176, %sign3A_185 : i32
      %sign3A_187 = arith.extui %sign3A_186 : i1 to i32
      %sign3A_188 = arith.constant 0 : i32
      %sign3A_189 = arith.cmpi slt, %jit3A_176, %sign3A_188 : i32
      %sign3A_190 = arith.extui %sign3A_189 : i1 to i32
      %sign3A_191 = arith.subi %sign3A_187, %sign3A_190 : i32
      %ne3A_192 = arith.cmpi ne, %sign3A_184, %sign3A_191 : i32
      %rem3A_193 = arith.remsi %add3A_55, %jit3A_176 : i32
      %ne3A_194 = arith.constant 0 : i32
      %ne3A_195 = arith.cmpi ne, %rem3A_193, %ne3A_194 : i32
      %and3A_196 = arith.andi %ne3A_192, %ne3A_195 : i1
      %sub3A_197 = arith.constant 1 : i32
      %sub3A_198 = arith.subi %div3A_177, %sub3A_197 : i32
      %select_n3A_199 = arith.select %and3A_196, %sub3A_198, %div3A_177 : i32
      %add3A_200 = arith.constant 48 : i32
      %add3A_201 = arith.addi %mul3A_92, %add3A_200 : i32
      %get3A_202 = arith.index_cast %select_n3A_199 : i32 to index
      %get3A_203 = arith.index_cast %add3A_201 : i32 to index
      %get3A_204 = tpu.vector_load %arg9[%get3A_202, %get3A_203] {strides = array<i32>} : memref<100x128xf32, #tpu.memory_space<vmem>>, vector<16xf32>,
      %scan3A_205 = arith.constant 0 : i32
      %scan3A_206 = arith.constant 16 : i32
      %scan3A_207 = arith.addi %scan3A_205, %scan3A_206 : i32
      %scan3A_208 = arith.constant 1 : i32
      scf.for %scan3A_414 = %scan3A_205 to %scan3A_207 step %scan3A_208  : i32 {
        %mul3A_415 = arith.constant 8 : i32
        %mul3A_416 = arith.muli %scan3A_414, %mul3A_415 : i32
        %add3A_417 = arith.constant 0 : i32
        %add3A_418 = arith.addi %add3A_417, %mul3A_416 : i32
        %add3A_419 = arith.constant 0 : i32
        %add3A_420 = arith.addi %add3A_418, %add3A_419 : i32
        %swap3A = arith.constant 0 : i32
        %swap3A_421 = arith.index_cast %swap3A : i32 to index
        %swap3A_422 = arith.index_cast %add3A_420 : i32 to index
        %swap3A_423 = arith.constant 0 : index
        %swap3A_424 = tpu.vector_load %arg7[%swap3A_421, %swap3A_422, %swap3A_423] {strides = array<i32>} : memref<2x128x128xf32, #tpu.memory_space<vmem>>, vector<16xf32>,
        tpu.vector_store %arg7[%swap3A_421, %swap3A_422, %swap3A_423], %get3A_117 {add = true, strides = array<i32>} : memref<2x128x128xf32, #tpu.memory_space<vmem>>, vector<16xf32>,
        %add3A_425 = arith.constant 0 : i32
        %add3A_426 = arith.addi %add3A_418, %add3A_425 : i32
        %swap3A_427 = arith.constant 0 : i32
        %swap3A_428 = arith.index_cast %swap3A_427 : i32 to index
        %swap3A_429 = arith.index_cast %add3A_426 : i32 to index
        %swap3A_430 = arith.constant 16 : index
        %swap3A_431 = tpu.vector_load %arg7[%swap3A_428, %swap3A_429, %swap3A_430] {strides = array<i32>} : memref<2x128x128xf32, #tpu.memory_space<vmem>>, vector<16xf32>,
        tpu.vector_store %arg7[%swap3A_428, %swap3A_429, %swap3A_430], %get3A_146 {add = true, strides = array<i32>} : memref<2x128x128xf32, #tpu.memory_space<vmem>>, vector<16xf32>,
        %add3A_432 = arith.constant 0 : i32
        %add3A_433 = arith.addi %add3A_418, %add3A_432 : i32
        %swap3A_434 = arith.constant 0 : i32
        %swap3A_435 = arith.index_cast %swap3A_434 : i32 to index
        %swap3A_436 = arith.index_cast %add3A_433 : i32 to index
        %swap3A_437 = arith.constant 32 : index
        %swap3A_438 = tpu.vector_load %arg7[%swap3A_435, %swap3A_436, %swap3A_437] {strides = array<i32>} : memref<2x128x128xf32, #tpu.memory_space<vmem>>, vector<16xf32>,
        tpu.vector_store %arg7[%swap3A_435, %swap3A_436, %swap3A_437], %get3A_175 {add = true, strides = array<i32>} : memref<2x128x128xf32, #tpu.memory_space<vmem>>, vector<16xf32>,
        %add3A_439 = arith.constant 0 : i32
        %add3A_440 = arith.addi %add3A_418, %add3A_439 : i32
        %swap3A_441 = arith.constant 0 : i32
        %swap3A_442 = arith.index_cast %swap3A_441 : i32 to index
        %swap3A_443 = arith.index_cast %add3A_440 : i32 to index
        %swap3A_444 = arith.constant 48 : index
        %swap3A_445 = tpu.vector_load %arg7[%swap3A_442, %swap3A_443, %swap3A_444] {strides = array<i32>} : memref<2x128x128xf32, #tpu.memory_space<vmem>>, vector<16xf32>,
        tpu.vector_store %arg7[%swap3A_442, %swap3A_443, %swap3A_444], %get3A_204 {add = true, strides = array<i32>} : memref<2x128x128xf32, #tpu.memory_space<vmem>>, vector<16xf32>,
        %add3A_446 = arith.constant 1 : i32
        %add3A_447 = arith.addi %add3A_418, %add3A_446 : i32
        %swap3A_448 = arith.constant 0 : i32
        %swap3A_449 = arith.index_cast %swap3A_448 : i32 to index
        %swap3A_450 = arith.index_cast %add3A_447 : i32 to index
        %swap3A_451 = arith.constant 0 : index
        %swap3A_452 = tpu.vector_load %arg7[%swap3A_449, %swap3A_450, %swap3A_451] {strides = array<i32>} : memref<2x128x128xf32, #tpu.memory_space<vmem>>, vector<16xf32>,
        tpu.vector_store %arg7[%swap3A_449, %swap3A_450, %swap3A_451], %get3A_117 {add = true, strides = array<i32>} : memref<2x128x128xf32, #tpu.memory_space<vmem>>, vector<16xf32>,
        %add3A_453 = arith.constant 1 : i32
        %add3A_454 = arith.addi %add3A_418, %add3A_453 : i32
        %swap3A_455 = arith.constant 0 : i32
        %swap3A_456 = arith.index_cast %swap3A_455 : i32 to index
        %swap3A_457 = arith.index_cast %add3A_454 : i32 to index
        %swap3A_458 = arith.constant 16 : index
        %swap3A_459 = tpu.vector_load %arg7[%swap3A_456, %swap3A_457, %swap3A_458] {strides = array<i32>} : memref<2x128x128xf32, #tpu.memory_space<vmem>>, vector<16xf32>,
        tpu.vector_store %arg7[%swap3A_456, %swap3A_457, %swap3A_458], %get3A_146 {add = true, strides = array<i32>} : memref<2x128x128xf32, #tpu.memory_space<vmem>>, vector<16xf32>,
        %add3A_460 = arith.constant 1 : i32
        %add3A_461 = arith.addi %add3A_418, %add3A_460 : i32
        %swap3A_462 = arith.constant 0 : i32
        %swap3A_463 = arith.index_cast %swap3A_462 : i32 to index
        %swap3A_464 = arith.index_cast %add3A_461 : i32 to index
        %swap3A_465 = arith.constant 32 : index
        %swap3A_466 = tpu.vector_load %arg7[%swap3A_463, %swap3A_464, %swap3A_465] {strides = array<i32>} : memref<2x128x128xf32, #tpu.memory_space<vmem>>, vector<16xf32>,
        tpu.vector_store %arg7[%swap3A_463, %swap3A_464, %swap3A_465], %get3A_175 {add = true, strides = array<i32>} : memref<2x128x128xf32, #tpu.memory_space<vmem>>, vector<16xf32>,
        %add3A_467 = arith.constant 1 : i32
        %add3A_468 = arith.addi %add3A_418, %add3A_467 : i32
        %swap3A_469 = arith.constant 0 : i32
        %swap3A_470 = arith.index_cast %swap3A_469 : i32 to index
        %swap3A_471 = arith.index_cast %add3A_468 : i32 to index
        %swap3A_472 = arith.constant 48 : index
        %swap3A_473 = tpu.vector_load %arg7[%swap3A_470, %swap3A_471, %swap3A_472] {strides = array<i32>} : memref<2x128x128xf32, #tpu.memory_space<vmem>>, vector<16xf32>,
        tpu.vector_store %arg7[%swap3A_470, %swap3A_471, %swap3A_472], %get3A_204 {add = true, strides = array<i32>} : memref<2x128x128xf32, #tpu.memory_space<vmem>>, vector<16xf32>,
        %add3A_474 = arith.constant 2 : i32
        %add3A_475 = arith.addi %add3A_418, %add3A_474 : i32
        %swap3A_476 = arith.constant 0 : i32
        %swap3A_477 = arith.index_cast %swap3A_476 : i32 to index
        %swap3A_478 = arith.index_cast %add3A_475 : i32 to index
        %swap3A_479 = arith.constant 0 : index
        %swap3A_480 = tpu.vector_load %arg7[%swap3A_477, %swap3A_478, %swap3A_479] {strides = array<i32>} : memref<2x128x128xf32, #tpu.memory_space<vmem>>, vector<16xf32>,
        tpu.vector_store %arg7[%swap3A_477, %swap3A_478, %swap3A_479], %get3A_117 {add = true, strides = array<i32>} : memref<2x128x128xf32, #tpu.memory_space<vmem>>, vector<16xf32>,
        %add3A_481 = arith.constant 2 : i32
        %add3A_482 = arith.addi %add3A_418, %add3A_481 : i32
        %swap3A_483 = arith.constant 0 : i32
        %swap3A_484 = arith.index_cast %swap3A_483 : i32 to index
        %swap3A_485 = arith.index_cast %add3A_482 : i32 to index
        %swap3A_486 = arith.constant 16 : index
        %swap3A_487 = tpu.vector_load %arg7[%swap3A_484, %swap3A_485, %swap3A_486] {strides = array<i32>} : memref<2x128x128xf32, #tpu.memory_space<vmem>>, vector<16xf32>,
        tpu.vector_store %arg7[%swap3A_484, %swap3A_485, %swap3A_486], %get3A_146 {add = true, strides = array<i32>} : memref<2x128x128xf32, #tpu.memory_space<vmem>>, vector<16xf32>,
        %add3A_488 = arith.constant 2 : i32
        %add3A_489 = arith.addi %add3A_418, %add3A_488 : i32
        %swap3A_490 = arith.constant 0 : i32
        %swap3A_491 = arith.index_cast %swap3A_490 : i32 to index
        %swap3A_492 = arith.index_cast %add3A_489 : i32 to index
        %swap3A_493 = arith.constant 32 : index
        %swap3A_494 = tpu.vector_load %arg7[%swap3A_491, %swap3A_492, %swap3A_493] {strides = array<i32>} : memref<2x128x128xf32, #tpu.memory_space<vmem>>, vector<16xf32>,
        tpu.vector_store %arg7[%swap3A_491, %swap3A_492, %swap3A_493], %get3A_175 {add = true, strides = array<i32>} : memref<2x128x128xf32, #tpu.memory_space<vmem>>, vector<16xf32>,
        %add3A_495 = arith.constant 2 : i32
        %add3A_496 = arith.addi %add3A_418, %add3A_495 : i32
        %swap3A_497 = arith.constant 0 : i32
        %swap3A_498 = arith.index_cast %swap3A_497 : i32 to index
        %swap3A_499 = arith.index_cast %add3A_496 : i32 to index
        %swap3A_500 = arith.constant 48 : index
        %swap3A_501 = tpu.vector_load %arg7[%swap3A_498, %swap3A_499, %swap3A_500] {strides = array<i32>} : memref<2x128x128xf32, #tpu.memory_space<vmem>>, vector<16xf32>,
        tpu.vector_store %arg7[%swap3A_498, %swap3A_499, %swap3A_500], %get3A_204 {add = true, strides = array<i32>} : memref<2x128x128xf32, #tpu.memory_space<vmem>>, vector<16xf32>,
        %add3A_502 = arith.constant 3 : i32
        %add3A_503 = arith.addi %add3A_418, %add3A_502 : i32
        %swap3A_504 = arith.constant 0 : i32
        %swap3A_505 = arith.index_cast %swap3A_504 : i32 to index
        %swap3A_506 = arith.index_cast %add3A_503 : i32 to index
        %swap3A_507 = arith.constant 0 : index
        %swap3A_508 = tpu.vector_load %arg7[%swap3A_505, %swap3A_506, %swap3A_507] {strides = array<i32>} : memref<2x128x128xf32, #tpu.memory_space<vmem>>, vector<16xf32>,
        tpu.vector_store %arg7[%swap3A_505, %swap3A_506, %swap3A_507], %get3A_117 {add = true, strides = array<i32>} : memref<2x128x128xf32, #tpu.memory_space<vmem>>, vector<16xf32>,
        %add3A_509 = arith.constant 3 : i32
        %add3A_510 = arith.addi %add3A_418, %add3A_509 : i32
        %swap3A_511 = arith.constant 0 : i32
        %swap3A_512 = arith.index_cast %swap3A_511 : i32 to index
        %swap3A_513 = arith.index_cast %add3A_510 : i32 to index
        %swap3A_514 = arith.constant 16 : index
        %swap3A_515 = tpu.vector_load %arg7[%swap3A_512, %swap3A_513, %swap3A_514] {strides = array<i32>} : memref<2x128x128xf32, #tpu.memory_space<vmem>>, vector<16xf32>,
        tpu.vector_store %arg7[%swap3A_512, %swap3A_513, %swap3A_514], %get3A_146 {add = true, strides = array<i32>} : memref<2x128x128xf32, #tpu.memory_space<vmem>>, vector<16xf32>,
        %add3A_516 = arith.constant 3 : i32
        %add3A_517 = arith.addi %add3A_418, %add3A_516 : i32
        %swap3A_518 = arith.constant 0 : i32
        %swap3A_519 = arith.index_cast %swap3A_518 : i32 to index
        %swap3A_520 = arith.index_cast %add3A_517 : i32 to index
        %swap3A_521 = arith.constant 32 : index
        %swap3A_522 = tpu.vector_load %arg7[%swap3A_519, %swap3A_520, %swap3A_521] {strides = array<i32>} : memref<2x128x128xf32, #tpu.memory_space<vmem>>, vector<16xf32>,
        tpu.vector_store %arg7[%swap3A_519, %swap3A_520, %swap3A_521], %get3A_175 {add = true, strides = array<i32>} : memref<2x128x128xf32, #tpu.memory_space<vmem>>, vector<16xf32>,
        %add3A_523 = arith.constant 3 : i32
        %add3A_524 = arith.addi %add3A_418, %add3A_523 : i32
        %swap3A_525 = arith.constant 0 : i32
        %swap3A_526 = arith.index_cast %swap3A_525 : i32 to index
        %swap3A_527 = arith.index_cast %add3A_524 : i32 to index
        %swap3A_528 = arith.constant 48 : index
        %swap3A_529 = tpu.vector_load %arg7[%swap3A_526, %swap3A_527, %swap3A_528] {strides = array<i32>} : memref<2x128x128xf32, #tpu.memory_space<vmem>>, vector<16xf32>,
        tpu.vector_store %arg7[%swap3A_526, %swap3A_527, %swap3A_528], %get3A_204 {add = true, strides = array<i32>} : memref<2x128x128xf32, #tpu.memory_space<vmem>>, vector<16xf32>,
        %add3A_530 = arith.constant 4 : i32
        %add3A_531 = arith.addi %add3A_418, %add3A_530 : i32
        %swap3A_532 = arith.constant 0 : i32
        %swap3A_533 = arith.index_cast %swap3A_532 : i32 to index
        %swap3A_534 = arith.index_cast %add3A_531 : i32 to index
        %swap3A_535 = arith.constant 0 : index
        %swap3A_536 = tpu.vector_load %arg7[%swap3A_533, %swap3A_534, %swap3A_535] {strides = array<i32>} : memref<2x128x128xf32, #tpu.memory_space<vmem>>, vector<16xf32>,
        tpu.vector_store %arg7[%swap3A_533, %swap3A_534, %swap3A_535], %get3A_117 {add = true, strides = array<i32>} : memref<2x128x128xf32, #tpu.memory_space<vmem>>, vector<16xf32>,
        %add3A_537 = arith.constant 4 : i32
        %add3A_538 = arith.addi %add3A_418, %add3A_537 : i32
        %swap3A_539 = arith.constant 0 : i32
        %swap3A_540 = arith.index_cast %swap3A_539 : i32 to index
        %swap3A_541 = arith.index_cast %add3A_538 : i32 to index
        %swap3A_542 = arith.constant 16 : index
        %swap3A_543 = tpu.vector_load %arg7[%swap3A_540, %swap3A_541, %swap3A_542] {strides = array<i32>} : memref<2x128x128xf32, #tpu.memory_space<vmem>>, vector<16xf32>,
        tpu.vector_store %arg7[%swap3A_540, %swap3A_541, %swap3A_542], %get3A_146 {add = true, strides = array<i32>} : memref<2x128x128xf32, #tpu.memory_space<vmem>>, vector<16xf32>,
        %add3A_544 = arith.constant 4 : i32
        %add3A_545 = arith.addi %add3A_418, %add3A_544 : i32
        %swap3A_546 = arith.constant 0 : i32
        %swap3A_547 = arith.index_cast %swap3A_546 : i32 to index
        %swap3A_548 = arith.index_cast %add3A_545 : i32 to index
        %swap3A_549 = arith.constant 32 : index
        %swap3A_550 = tpu.vector_load %arg7[%swap3A_547, %swap3A_548, %swap3A_549] {strides = array<i32>} : memref<2x128x128xf32, #tpu.memory_space<vmem>>, vector<16xf32>,
        tpu.vector_store %arg7[%swap3A_547, %swap3A_548, %swap3A_549], %get3A_175 {add = true, strides = array<i32>} : memref<2x128x128xf32, #tpu.memory_space<vmem>>, vector<16xf32>,
        %add3A_551 = arith.constant 4 : i32
        %add3A_552 = arith.addi %add3A_418, %add3A_551 : i32
        %swap3A_553 = arith.constant 0 : i32
        %swap3A_554 = arith.index_cast %swap3A_553 : i32 to index
        %swap3A_555 = arith.index_cast %add3A_552 : i32 to index
        %swap3A_556 = arith.constant 48 : index
        %swap3A_557 = tpu.vector_load %arg7[%swap3A_554, %swap3A_555, %swap3A_556] {strides = array<i32>} : memref<2x128x128xf32, #tpu.memory_space<vmem>>, vector<16xf32>,
        tpu.vector_store %arg7[%swap3A_554, %swap3A_555, %swap3A_556], %get3A_204 {add = true, strides = array<i32>} : memref<2x128x128xf32, #tpu.memory_space<vmem>>, vector<16xf32>,
        %add3A_558 = arith.constant 5 : i32
        %add3A_559 = arith.addi %add3A_418, %add3A_558 : i32
        %swap3A_560 = arith.constant 0 : i32
        %swap3A_561 = arith.index_cast %swap3A_560 : i32 to index
        %swap3A_562 = arith.index_cast %add3A_559 : i32 to index
        %swap3A_563 = arith.constant 0 : index
        %swap3A_564 = tpu.vector_load %arg7[%swap3A_561, %swap3A_562, %swap3A_563] {strides = array<i32>} : memref<2x128x128xf32, #tpu.memory_space<vmem>>, vector<16xf32>,
        tpu.vector_store %arg7[%swap3A_561, %swap3A_562, %swap3A_563], %get3A_117 {add = true, strides = array<i32>} : memref<2x128x128xf32, #tpu.memory_space<vmem>>, vector<16xf32>,
        %add3A_565 = arith.constant 5 : i32
        %add3A_566 = arith.addi %add3A_418, %add3A_565 : i32
        %swap3A_567 = arith.constant 0 : i32
        %swap3A_568 = arith.index_cast %swap3A_567 : i32 to index
        %swap3A_569 = arith.index_cast %add3A_566 : i32 to index
        %swap3A_570 = arith.constant 16 : index
        %swap3A_571 = tpu.vector_load %arg7[%swap3A_568, %swap3A_569, %swap3A_570] {strides = array<i32>} : memref<2x128x128xf32, #tpu.memory_space<vmem>>, vector<16xf32>,
        tpu.vector_store %arg7[%swap3A_568, %swap3A_569, %swap3A_570], %get3A_146 {add = true, strides = array<i32>} : memref<2x128x128xf32, #tpu.memory_space<vmem>>, vector<16xf32>,
        %add3A_572 = arith.constant 5 : i32
        %add3A_573 = arith.addi %add3A_418, %add3A_572 : i32
        %swap3A_574 = arith.constant 0 : i32
        %swap3A_575 = arith.index_cast %swap3A_574 : i32 to index
        %swap3A_576 = arith.index_cast %add3A_573 : i32 to index
        %swap3A_577 = arith.constant 32 : index
        %swap3A_578 = tpu.vector_load %arg7[%swap3A_575, %swap3A_576, %swap3A_577] {strides = array<i32>} : memref<2x128x128xf32, #tpu.memory_space<vmem>>, vector<16xf32>,
        tpu.vector_store %arg7[%swap3A_575, %swap3A_576, %swap3A_577], %get3A_175 {add = true, strides = array<i32>} : memref<2x128x128xf32, #tpu.memory_space<vmem>>, vector<16xf32>,
        %add3A_579 = arith.constant 5 : i32
        %add3A_580 = arith.addi %add3A_418, %add3A_579 : i32
        %swap3A_581 = arith.constant 0 : i32
        %swap3A_582 = arith.index_cast %swap3A_581 : i32 to index
        %swap3A_583 = arith.index_cast %add3A_580 : i32 to index
        %swap3A_584 = arith.constant 48 : index
        %swap3A_585 = tpu.vector_load %arg7[%swap3A_582, %swap3A_583, %swap3A_584] {strides = array<i32>} : memref<2x128x128xf32, #tpu.memory_space<vmem>>, vector<16xf32>,
        tpu.vector_store %arg7[%swap3A_582, %swap3A_583, %swap3A_584], %get3A_204 {add = true, strides = array<i32>} : memref<2x128x128xf32, #tpu.memory_space<vmem>>, vector<16xf32>,
        %add3A_586 = arith.constant 6 : i32
        %add3A_587 = arith.addi %add3A_418, %add3A_586 : i32
        %swap3A_588 = arith.constant 0 : i32
        %swap3A_589 = arith.index_cast %swap3A_588 : i32 to index
        %swap3A_590 = arith.index_cast %add3A_587 : i32 to index
        %swap3A_591 = arith.constant 0 : index
        %swap3A_592 = tpu.vector_load %arg7[%swap3A_589, %swap3A_590, %swap3A_591] {strides = array<i32>} : memref<2x128x128xf32, #tpu.memory_space<vmem>>, vector<16xf32>,
        tpu.vector_store %arg7[%swap3A_589, %swap3A_590, %swap3A_591], %get3A_117 {add = true, strides = array<i32>} : memref<2x128x128xf32, #tpu.memory_space<vmem>>, vector<16xf32>,
        %add3A_593 = arith.constant 6 : i32
        %add3A_594 = arith.addi %add3A_418, %add3A_593 : i32
        %swap3A_595 = arith.constant 0 : i32
        %swap3A_596 = arith.index_cast %swap3A_595 : i32 to index
        %swap3A_597 = arith.index_cast %add3A_594 : i32 to index
        %swap3A_598 = arith.constant 16 : index
        %swap3A_599 = tpu.vector_load %arg7[%swap3A_596, %swap3A_597, %swap3A_598] {strides = array<i32>} : memref<2x128x128xf32, #tpu.memory_space<vmem>>, vector<16xf32>,
        tpu.vector_store %arg7[%swap3A_596, %swap3A_597, %swap3A_598], %get3A_146 {add = true, strides = array<i32>} : memref<2x128x128xf32, #tpu.memory_space<vmem>>, vector<16xf32>,
        %add3A_600 = arith.constant 6 : i32
        %add3A_601 = arith.addi %add3A_418, %add3A_600 : i32
        %swap3A_602 = arith.constant 0 : i32
        %swap3A_603 = arith.index_cast %swap3A_602 : i32 to index
        %swap3A_604 = arith.index_cast %add3A_601 : i32 to index
        %swap3A_605 = arith.constant 32 : index
        %swap3A_606 = tpu.vector_load %arg7[%swap3A_603, %swap3A_604, %swap3A_605] {strides = array<i32>} : memref<2x128x128xf32, #tpu.memory_space<vmem>>, vector<16xf32>,
        tpu.vector_store %arg7[%swap3A_603, %swap3A_604, %swap3A_605], %get3A_175 {add = true, strides = array<i32>} : memref<2x128x128xf32, #tpu.memory_space<vmem>>, vector<16xf32>,
        %add3A_607 = arith.constant 6 : i32
        %add3A_608 = arith.addi %add3A_418, %add3A_607 : i32
        %swap3A_609 = arith.constant 0 : i32
        %swap3A_610 = arith.index_cast %swap3A_609 : i32 to index
        %swap3A_611 = arith.index_cast %add3A_608 : i32 to index
        %swap3A_612 = arith.constant 48 : index
        %swap3A_613 = tpu.vector_load %arg7[%swap3A_610, %swap3A_611, %swap3A_612] {strides = array<i32>} : memref<2x128x128xf32, #tpu.memory_space<vmem>>, vector<16xf32>,
        tpu.vector_store %arg7[%swap3A_610, %swap3A_611, %swap3A_612], %get3A_204 {add = true, strides = array<i32>} : memref<2x128x128xf32, #tpu.memory_space<vmem>>, vector<16xf32>,
        %add3A_614 = arith.constant 7 : i32
        %add3A_615 = arith.addi %add3A_418, %add3A_614 : i32
        %swap3A_616 = arith.constant 0 : i32
        %swap3A_617 = arith.index_cast %swap3A_616 : i32 to index
        %swap3A_618 = arith.index_cast %add3A_615 : i32 to index
        %swap3A_619 = arith.constant 0 : index
        %swap3A_620 = tpu.vector_load %arg7[%swap3A_617, %swap3A_618, %swap3A_619] {strides = array<i32>} : memref<2x128x128xf32, #tpu.memory_space<vmem>>, vector<16xf32>,
        tpu.vector_store %arg7[%swap3A_617, %swap3A_618, %swap3A_619], %get3A_117 {add = true, strides = array<i32>} : memref<2x128x128xf32, #tpu.memory_space<vmem>>, vector<16xf32>,
        %add3A_621 = arith.constant 7 : i32
        %add3A_622 = arith.addi %add3A_418, %add3A_621 : i32
        %swap3A_623 = arith.constant 0 : i32
        %swap3A_624 = arith.index_cast %swap3A_623 : i32 to index
        %swap3A_625 = arith.index_cast %add3A_622 : i32 to index
        %swap3A_626 = arith.constant 16 : index
        %swap3A_627 = tpu.vector_load %arg7[%swap3A_624, %swap3A_625, %swap3A_626] {strides = array<i32>} : memref<2x128x128xf32, #tpu.memory_space<vmem>>, vector<16xf32>,
        tpu.vector_store %arg7[%swap3A_624, %swap3A_625, %swap3A_626], %get3A_146 {add = true, strides = array<i32>} : memref<2x128x128xf32, #tpu.memory_space<vmem>>, vector<16xf32>,
        %add3A_628 = arith.constant 7 : i32
        %add3A_629 = arith.addi %add3A_418, %add3A_628 : i32
        %swap3A_630 = arith.constant 0 : i32
        %swap3A_631 = arith.index_cast %swap3A_630 : i32 to index
        %swap3A_632 = arith.index_cast %add3A_629 : i32 to index
        %swap3A_633 = arith.constant 32 : index
        %swap3A_634 = tpu.vector_load %arg7[%swap3A_631, %swap3A_632, %swap3A_633] {strides = array<i32>} : memref<2x128x128xf32, #tpu.memory_space<vmem>>, vector<16xf32>,
        tpu.vector_store %arg7[%swap3A_631, %swap3A_632, %swap3A_633], %get3A_175 {add = true, strides = array<i32>} : memref<2x128x128xf32, #tpu.memory_space<vmem>>, vector<16xf32>,
        %add3A_635 = arith.constant 7 : i32
        %add3A_636 = arith.addi %add3A_418, %add3A_635 : i32
        %swap3A_637 = arith.constant 0 : i32
        %swap3A_638 = arith.index_cast %swap3A_637 : i32 to index
        %swap3A_639 = arith.index_cast %add3A_636 : i32 to index
        %swap3A_640 = arith.constant 48 : index
        %swap3A_641 = tpu.vector_load %arg7[%swap3A_638, %swap3A_639, %swap3A_640] {strides = array<i32>} : memref<2x128x128xf32, #tpu.memory_space<vmem>>, vector<16xf32>,
        tpu.vector_store %arg7[%swap3A_638, %swap3A_639, %swap3A_640], %get3A_204 {add = true, strides = array<i32>} : memref<2x128x128xf32, #tpu.memory_space<vmem>>, vector<16xf32>,
      }
      %scan3A_209 = arith.constant 16 : i32
      %scan3A_210 = arith.constant 0 : i32
      %scan3A_211 = arith.constant 32 : i32
      %scan3A_212 = arith.addi %scan3A_210, %scan3A_211 : i32
      %scan3A_213 = arith.constant 1 : i32
      scf.for %scan3A_414 = %scan3A_210 to %scan3A_212 step %scan3A_213  : i32 {
        %mul3A_415 = arith.constant 1 : i32
        %mul3A_416 = arith.muli %scan3A_414, %mul3A_415 : i32
        %add3A_417 = arith.constant 0 : i32
        %add3A_418 = arith.addi %add3A_417, %mul3A_416 : i32
        %jit3A_419 = arith.constant 4 : i32
        %div3A_420 = arith.divsi %add3A_418, %jit3A_419 : i32
        %sign3A_421 = arith.constant 0 : i32
        %sign3A_422 = arith.cmpi sgt, %add3A_418, %sign3A_421 : i32
        %sign3A_423 = arith.extui %sign3A_422 : i1 to i32
        %sign3A_424 = arith.constant 0 : i32
        %sign3A_425 = arith.cmpi slt, %add3A_418, %sign3A_424 : i32
        %sign3A_426 = arith.extui %sign3A_425 : i1 to i32
        %sign3A_427 = arith.subi %sign3A_423, %sign3A_426 : i32
        %sign3A_428 = arith.constant 0 : i32
        %sign3A_429 = arith.cmpi sgt, %jit3A_419, %sign3A_428 : i32
        %sign3A_430 = arith.extui %sign3A_429 : i1 to i32
        %sign3A_431 = arith.constant 0 : i32
        %sign3A_432 = arith.cmpi slt, %jit3A_419, %sign3A_431 : i32
        %sign3A_433 = arith.extui %sign3A_432 : i1 to i32
        %sign3A_434 = arith.subi %sign3A_430, %sign3A_433 : i32
        %ne3A_435 = arith.cmpi ne, %sign3A_427, %sign3A_434 : i32
        %rem3A_436 = arith.remsi %add3A_418, %jit3A_419 : i32
        %ne3A_437 = arith.constant 0 : i32
        %ne3A_438 = arith.cmpi ne, %rem3A_436, %ne3A_437 : i32
        %and3A_439 = arith.andi %ne3A_435, %ne3A_438 : i1
        %sub3A_440 = arith.constant 1 : i32
        %sub3A_441 = arith.subi %div3A_420, %sub3A_440 : i32
        %select_n3A_442 = arith.select %and3A_439, %sub3A_441, %div3A_420 : i32
        %jit3A_443 = arith.constant 4 : i32
        %eq3A_444 = arith.constant 0 : i32
        %eq3A_445 = arith.cmpi eq, %jit3A_443, %eq3A_444 : i32
        %jit3A_446 = arith.constant 1 : i32
        %select_n3A_447 = arith.select %eq3A_445, %jit3A_446, %jit3A_443 : i32
        %rem3A_448 = arith.remsi %add3A_418, %select_n3A_447 : i32
        %ne3A_449 = arith.constant 0 : i32
        %ne3A_450 = arith.cmpi ne, %rem3A_448, %ne3A_449 : i32
        %lt3A_451 = arith.constant 0 : i32
        %lt3A_452 = arith.cmpi slt, %rem3A_448, %lt3A_451 : i32
        %lt3A_453 = arith.constant 0 : i32
        %lt3A_454 = arith.cmpi slt, %select_n3A_447, %lt3A_453 : i32
        %ne3A_455 = arith.xori %lt3A_452, %lt3A_454 : i1
        %and3A_456 = arith.andi %ne3A_455, %ne3A_450 : i1
        %add3A_457 = arith.addi %rem3A_448, %select_n3A_447 : i32
        %select_n3A_458 = arith.select %and3A_456, %add3A_457, %rem3A_448 : i32
        %mul3A_459 = arith.constant 16 : i32
        %mul3A_460 = arith.muli %select_n3A_442, %mul3A_459 : i32
        %broadcast_in_dim3A = vector.broadcast %mul3A_460 : i32 to vector<16xi32>
        %add3A_461 = arith.addi %broadcast_in_dim3A, %iota3A : vector<16xi32>
        %mul3A_462 = arith.constant 16 : i32
        %mul3A_463 = arith.muli %select_n3A_458, %mul3A_462 : i32
        %broadcast_in_dim3A_464 = vector.broadcast %mul3A_463 : i32 to vector<16xi32>
        %add3A_465 = arith.constant 0 : i32
        %add3A_466 = vector.broadcast %add3A_465 : i32 to vector<16xi32>
        %add3A_467 = arith.addi %iota3A, %add3A_466 : vector<16xi32>
        %and3A_468 = arith.constant 15 : i32
        %and3A_469 = vector.broadcast %and3A_468 : i32 to vector<16xi32>
        %and3A_470 = arith.andi %add3A_467, %and3A_469 : vector<16xi32>
        %add3A_471 = arith.addi %broadcast_in_dim3A_464, %and3A_470 : vector<16xi32>
        %gather3A = arith.constant 0 : i32
        %gather3A_472 = arith.constant 0 : i32
        %gather3A_473 = arith.constant 0 : i32
        %gather3A_474 = tpu.memref_slice %arg7[%gather3A, %gather3A_472, %gather3A_473] : memref<2x128x128xf32, #tpu.memory_space<vmem>> -> memref<1x128x128xf32, #tpu.memory_space<vmem>>
        %gather3A_475 = tpu.memref_squeeze %gather3A_474 : memref<1x128x128xf32, #tpu.memory_space<vmem>> -> memref<128x128xf32, #tpu.memory_space<vmem>>
        %gather3A_476 = tpu.vector_load_idx %gather3A_475[%add3A_461, %add3A_471] : memref<128x128xf32, #tpu.memory_space<vmem>>[vector<16xi32>, vector<16xi32>], vector<16xf32>,
        %add3A_477 = arith.constant 1 : i32
        %add3A_478 = vector.broadcast %add3A_477 : i32 to vector<16xi32>
        %add3A_479 = arith.addi %iota3A, %add3A_478 : vector<16xi32>
        %and3A_480 = arith.constant 15 : i32
        %and3A_481 = vector.broadcast %and3A_480 : i32 to vector<16xi32>
        %and3A_482 = arith.andi %add3A_479, %and3A_481 : vector<16xi32>
        %add3A_483 = arith.addi %broadcast_in_dim3A_464, %and3A_482 : vector<16xi32>
        %gather3A_484 = arith.constant 0 : i32
        %gather3A_485 = arith.constant 0 : i32
        %gather3A_486 = arith.constant 0 : i32
        %gather3A_487 = tpu.memref_slice %arg7[%gather3A_484, %gather3A_485, %gather3A_486] : memref<2x128x128xf32, #tpu.memory_space<vmem>> -> memref<1x128x128xf32, #tpu.memory_space<vmem>>
        %gather3A_488 = tpu.memref_squeeze %gather3A_487 : memref<1x128x128xf32, #tpu.memory_space<vmem>> -> memref<128x128xf32, #tpu.memory_space<vmem>>
        %gather3A_489 = tpu.vector_load_idx %gather3A_488[%add3A_461, %add3A_483] : memref<128x128xf32, #tpu.memory_space<vmem>>[vector<16xi32>, vector<16xi32>], vector<16xf32>,
        %add3A_490 = arith.constant 2 : i32
        %add3A_491 = vector.broadcast %add3A_490 : i32 to vector<16xi32>
        %add3A_492 = arith.addi %iota3A, %add3A_491 : vector<16xi32>
        %and3A_493 = arith.constant 15 : i32
        %and3A_494 = vector.broadcast %and3A_493 : i32 to vector<16xi32>
        %and3A_495 = arith.andi %add3A_492, %and3A_494 : vector<16xi32>
        %add3A_496 = arith.addi %broadcast_in_dim3A_464, %and3A_495 : vector<16xi32>
        %gather3A_497 = arith.constant 0 : i32
        %gather3A_498 = arith.constant 0 : i32
        %gather3A_499 = arith.constant 0 : i32
        %gather3A_500 = tpu.memref_slice %arg7[%gather3A_497, %gather3A_498, %gather3A_499] : memref<2x128x128xf32, #tpu.memory_space<vmem>> -> memref<1x128x128xf32, #tpu.memory_space<vmem>>
        %gather3A_501 = tpu.memref_squeeze %gather3A_500 : memref<1x128x128xf32, #tpu.memory_space<vmem>> -> memref<128x128xf32, #tpu.memory_space<vmem>>
        %gather3A_502 = tpu.vector_load_idx %gather3A_501[%add3A_461, %add3A_496] : memref<128x128xf32, #tpu.memory_space<vmem>>[vector<16xi32>, vector<16xi32>], vector<16xf32>,
        %add3A_503 = arith.constant 3 : i32
        %add3A_504 = vector.broadcast %add3A_503 : i32 to vector<16xi32>
        %add3A_505 = arith.addi %iota3A, %add3A_504 : vector<16xi32>
        %and3A_506 = arith.constant 15 : i32
        %and3A_507 = vector.broadcast %and3A_506 : i32 to vector<16xi32>
        %and3A_508 = arith.andi %add3A_505, %and3A_507 : vector<16xi32>
        %add3A_509 = arith.addi %broadcast_in_dim3A_464, %and3A_508 : vector<16xi32>
        %gather3A_510 = arith.constant 0 : i32
        %gather3A_511 = arith.constant 0 : i32
        %gather3A_512 = arith.constant 0 : i32
        %gather3A_513 = tpu.memref_slice %arg7[%gather3A_510, %gather3A_511, %gather3A_512] : memref<2x128x128xf32, #tpu.memory_space<vmem>> -> memref<1x128x128xf32, #tpu.memory_space<vmem>>
        %gather3A_514 = tpu.memref_squeeze %gather3A_513 : memref<1x128x128xf32, #tpu.memory_space<vmem>> -> memref<128x128xf32, #tpu.memory_space<vmem>>
        %gather3A_515 = tpu.vector_load_idx %gather3A_514[%add3A_461, %add3A_509] : memref<128x128xf32, #tpu.memory_space<vmem>>[vector<16xi32>, vector<16xi32>], vector<16xf32>,
        %scatter3A = arith.constant 0 : i32
        %scatter3A_516 = arith.constant 0 : i32
        %scatter3A_517 = arith.constant 0 : i32
        %scatter3A_518 = tpu.memref_slice %arg8[%scatter3A, %scatter3A_516, %scatter3A_517] : memref<2x64x128xf32, #tpu.memory_space<vmem>> -> memref<1x64x128xf32, #tpu.memory_space<vmem>>
        %scatter3A_519 = tpu.memref_squeeze %scatter3A_518 : memref<1x64x128xf32, #tpu.memory_space<vmem>> -> memref<64x128xf32, #tpu.memory_space<vmem>>
        tpu.vector_store_idx %scatter3A_519[%add3A_471, %add3A_461], %gather3A_476 : memref<64x128xf32, #tpu.memory_space<vmem>>[vector<16xi32>, vector<16xi32>], vector<16xf32>,
        %scatter3A_520 = arith.constant 0 : i32
        %scatter3A_521 = arith.constant 0 : i32
        %scatter3A_522 = arith.constant 0 : i32
        %scatter3A_523 = tpu.memref_slice %arg8[%scatter3A_520, %scatter3A_521, %scatter3A_522] : memref<2x64x128xf32, #tpu.memory_space<vmem>> -> memref<1x64x128xf32, #tpu.memory_space<vmem>>
        %scatter3A_524 = tpu.memref_squeeze %scatter3A_523 : memref<1x64x128xf32, #tpu.memory_space<vmem>> -> memref<64x128xf32, #tpu.memory_space<vmem>>
        tpu.vector_store_idx %scatter3A_524[%add3A_483, %add3A_461], %gather3A_489 : memref<64x128xf32, #tpu.memory_space<vmem>>[vector<16xi32>, vector<16xi32>], vector<16xf32>,
        %scatter3A_525 = arith.constant 0 : i32
        %scatter3A_526 = arith.constant 0 : i32
        %scatter3A_527 = arith.constant 0 : i32
        %scatter3A_528 = tpu.memref_slice %arg8[%scatter3A_525, %scatter3A_526, %scatter3A_527] : memref<2x64x128xf32, #tpu.memory_space<vmem>> -> memref<1x64x128xf32, #tpu.memory_space<vmem>>
        %scatter3A_529 = tpu.memref_squeeze %scatter3A_528 : memref<1x64x128xf32, #tpu.memory_space<vmem>> -> memref<64x128xf32, #tpu.memory_space<vmem>>
        tpu.vector_store_idx %scatter3A_529[%add3A_496, %add3A_461], %gather3A_502 : memref<64x128xf32, #tpu.memory_space<vmem>>[vector<16xi32>, vector<16xi32>], vector<16xf32>,
        %scatter3A_530 = arith.constant 0 : i32
        %scatter3A_531 = arith.constant 0 : i32
        %scatter3A_532 = arith.constant 0 : i32
        %scatter3A_533 = tpu.memref_slice %arg8[%scatter3A_530, %scatter3A_531, %scatter3A_532] : memref<2x64x128xf32, #tpu.memory_space<vmem>> -> memref<1x64x128xf32, #tpu.memory_space<vmem>>
        %scatter3A_534 = tpu.memref_squeeze %scatter3A_533 : memref<1x64x128xf32, #tpu.memory_space<vmem>> -> memref<64x128xf32, #tpu.memory_space<vmem>>
        tpu.vector_store_idx %scatter3A_534[%add3A_509, %add3A_461], %gather3A_515 : memref<64x128xf32, #tpu.memory_space<vmem>>[vector<16xi32>, vector<16xi32>], vector<16xf32>,
        %add3A_535 = arith.constant 4 : i32
        %add3A_536 = vector.broadcast %add3A_535 : i32 to vector<16xi32>
        %add3A_537 = arith.addi %iota3A, %add3A_536 : vector<16xi32>
        %and3A_538 = arith.constant 15 : i32
        %and3A_539 = vector.broadcast %and3A_538 : i32 to vector<16xi32>
        %and3A_540 = arith.andi %add3A_537, %and3A_539 : vector<16xi32>
        %add3A_541 = arith.addi %broadcast_in_dim3A_464, %and3A_540 : vector<16xi32>
        %gather3A_542 = arith.constant 0 : i32
        %gather3A_543 = arith.constant 0 : i32
        %gather3A_544 = arith.constant 0 : i32
        %gather3A_545 = tpu.memref_slice %arg7[%gather3A_542, %gather3A_543, %gather3A_544] : memref<2x128x128xf32, #tpu.memory_space<vmem>> -> memref<1x128x128xf32, #tpu.memory_space<vmem>>
        %gather3A_546 = tpu.memref_squeeze %gather3A_545 : memref<1x128x128xf32, #tpu.memory_space<vmem>> -> memref<128x128xf32, #tpu.memory_space<vmem>>
        %gather3A_547 = tpu.vector_load_idx %gather3A_546[%add3A_461, %add3A_541] : memref<128x128xf32, #tpu.memory_space<vmem>>[vector<16xi32>, vector<16xi32>], vector<16xf32>,
        %add3A_548 = arith.constant 5 : i32
        %add3A_549 = vector.broadcast %add3A_548 : i32 to vector<16xi32>
        %add3A_550 = arith.addi %iota3A, %add3A_549 : vector<16xi32>
        %and3A_551 = arith.constant 15 : i32
        %and3A_552 = vector.broadcast %and3A_551 : i32 to vector<16xi32>
        %and3A_553 = arith.andi %add3A_550, %and3A_552 : vector<16xi32>
        %add3A_554 = arith.addi %broadcast_in_dim3A_464, %and3A_553 : vector<16xi32>
        %gather3A_555 = arith.constant 0 : i32
        %gather3A_556 = arith.constant 0 : i32
        %gather3A_557 = arith.constant 0 : i32
        %gather3A_558 = tpu.memref_slice %arg7[%gather3A_555, %gather3A_556, %gather3A_557] : memref<2x128x128xf32, #tpu.memory_space<vmem>> -> memref<1x128x128xf32, #tpu.memory_space<vmem>>
        %gather3A_559 = tpu.memref_squeeze %gather3A_558 : memref<1x128x128xf32, #tpu.memory_space<vmem>> -> memref<128x128xf32, #tpu.memory_space<vmem>>
        %gather3A_560 = tpu.vector_load_idx %gather3A_559[%add3A_461, %add3A_554] : memref<128x128xf32, #tpu.memory_space<vmem>>[vector<16xi32>, vector<16xi32>], vector<16xf32>,
        %add3A_561 = arith.constant 6 : i32
        %add3A_562 = vector.broadcast %add3A_561 : i32 to vector<16xi32>
        %add3A_563 = arith.addi %iota3A, %add3A_562 : vector<16xi32>
        %and3A_564 = arith.constant 15 : i32
        %and3A_565 = vector.broadcast %and3A_564 : i32 to vector<16xi32>
        %and3A_566 = arith.andi %add3A_563, %and3A_565 : vector<16xi32>
        %add3A_567 = arith.addi %broadcast_in_dim3A_464, %and3A_566 : vector<16xi32>
        %gather3A_568 = arith.constant 0 : i32
        %gather3A_569 = arith.constant 0 : i32
        %gather3A_570 = arith.constant 0 : i32
        %gather3A_571 = tpu.memref_slice %arg7[%gather3A_568, %gather3A_569, %gather3A_570] : memref<2x128x128xf32, #tpu.memory_space<vmem>> -> memref<1x128x128xf32, #tpu.memory_space<vmem>>
        %gather3A_572 = tpu.memref_squeeze %gather3A_571 : memref<1x128x128xf32, #tpu.memory_space<vmem>> -> memref<128x128xf32, #tpu.memory_space<vmem>>
        %gather3A_573 = tpu.vector_load_idx %gather3A_572[%add3A_461, %add3A_567] : memref<128x128xf32, #tpu.memory_space<vmem>>[vector<16xi32>, vector<16xi32>], vector<16xf32>,
        %add3A_574 = arith.constant 7 : i32
        %add3A_575 = vector.broadcast %add3A_574 : i32 to vector<16xi32>
        %add3A_576 = arith.addi %iota3A, %add3A_575 : vector<16xi32>
        %and3A_577 = arith.constant 15 : i32
        %and3A_578 = vector.broadcast %and3A_577 : i32 to vector<16xi32>
        %and3A_579 = arith.andi %add3A_576, %and3A_578 : vector<16xi32>
        %add3A_580 = arith.addi %broadcast_in_dim3A_464, %and3A_579 : vector<16xi32>
        %gather3A_581 = arith.constant 0 : i32
        %gather3A_582 = arith.constant 0 : i32
        %gather3A_583 = arith.constant 0 : i32
        %gather3A_584 = tpu.memref_slice %arg7[%gather3A_581, %gather3A_582, %gather3A_583] : memref<2x128x128xf32, #tpu.memory_space<vmem>> -> memref<1x128x128xf32, #tpu.memory_space<vmem>>
        %gather3A_585 = tpu.memref_squeeze %gather3A_584 : memref<1x128x128xf32, #tpu.memory_space<vmem>> -> memref<128x128xf32, #tpu.memory_space<vmem>>
        %gather3A_586 = tpu.vector_load_idx %gather3A_585[%add3A_461, %add3A_580] : memref<128x128xf32, #tpu.memory_space<vmem>>[vector<16xi32>, vector<16xi32>], vector<16xf32>,
        %scatter3A_587 = arith.constant 0 : i32
        %scatter3A_588 = arith.constant 0 : i32
        %scatter3A_589 = arith.constant 0 : i32
        %scatter3A_590 = tpu.memref_slice %arg8[%scatter3A_587, %scatter3A_588, %scatter3A_589] : memref<2x64x128xf32, #tpu.memory_space<vmem>> -> memref<1x64x128xf32, #tpu.memory_space<vmem>>
        %scatter3A_591 = tpu.memref_squeeze %scatter3A_590 : memref<1x64x128xf32, #tpu.memory_space<vmem>> -> memref<64x128xf32, #tpu.memory_space<vmem>>
        tpu.vector_store_idx %scatter3A_591[%add3A_541, %add3A_461], %gather3A_547 : memref<64x128xf32, #tpu.memory_space<vmem>>[vector<16xi32>, vector<16xi32>], vector<16xf32>,
        %scatter3A_592 = arith.constant 0 : i32
        %scatter3A_593 = arith.constant 0 : i32
        %scatter3A_594 = arith.constant 0 : i32
        %scatter3A_595 = tpu.memref_slice %arg8[%scatter3A_592, %scatter3A_593, %scatter3A_594] : memref<2x64x128xf32, #tpu.memory_space<vmem>> -> memref<1x64x128xf32, #tpu.memory_space<vmem>>
        %scatter3A_596 = tpu.memref_squeeze %scatter3A_595 : memref<1x64x128xf32, #tpu.memory_space<vmem>> -> memref<64x128xf32, #tpu.memory_space<vmem>>
        tpu.vector_store_idx %scatter3A_596[%add3A_554, %add3A_461], %gather3A_560 : memref<64x128xf32, #tpu.memory_space<vmem>>[vector<16xi32>, vector<16xi32>], vector<16xf32>,
        %scatter3A_597 = arith.constant 0 : i32
        %scatter3A_598 = arith.constant 0 : i32
        %scatter3A_599 = arith.constant 0 : i32
        %scatter3A_600 = tpu.memref_slice %arg8[%scatter3A_597, %scatter3A_598, %scatter3A_599] : memref<2x64x128xf32, #tpu.memory_space<vmem>> -> memref<1x64x128xf32, #tpu.memory_space<vmem>>
        %scatter3A_601 = tpu.memref_squeeze %scatter3A_600 : memref<1x64x128xf32, #tpu.memory_space<vmem>> -> memref<64x128xf32, #tpu.memory_space<vmem>>
        tpu.vector_store_idx %scatter3A_601[%add3A_567, %add3A_461], %gather3A_573 : memref<64x128xf32, #tpu.memory_space<vmem>>[vector<16xi32>, vector<16xi32>], vector<16xf32>,
        %scatter3A_602 = arith.constant 0 : i32
        %scatter3A_603 = arith.constant 0 : i32
        %scatter3A_604 = arith.constant 0 : i32
        %scatter3A_605 = tpu.memref_slice %arg8[%scatter3A_602, %scatter3A_603, %scatter3A_604] : memref<2x64x128xf32, #tpu.memory_space<vmem>> -> memref<1x64x128xf32, #tpu.memory_space<vmem>>
        %scatter3A_606 = tpu.memref_squeeze %scatter3A_605 : memref<1x64x128xf32, #tpu.memory_space<vmem>> -> memref<64x128xf32, #tpu.memory_space<vmem>>
        tpu.vector_store_idx %scatter3A_606[%add3A_580, %add3A_461], %gather3A_586 : memref<64x128xf32, #tpu.memory_space<vmem>>[vector<16xi32>, vector<16xi32>], vector<16xf32>,
        %add3A_607 = arith.constant 8 : i32
        %add3A_608 = vector.broadcast %add3A_607 : i32 to vector<16xi32>
        %add3A_609 = arith.addi %iota3A, %add3A_608 : vector<16xi32>
        %and3A_610 = arith.constant 15 : i32
        %and3A_611 = vector.broadcast %and3A_610 : i32 to vector<16xi32>
        %and3A_612 = arith.andi %add3A_609, %and3A_611 : vector<16xi32>
        %add3A_613 = arith.addi %broadcast_in_dim3A_464, %and3A_612 : vector<16xi32>
        %gather3A_614 = arith.constant 0 : i32
        %gather3A_615 = arith.constant 0 : i32
        %gather3A_616 = arith.constant 0 : i32
        %gather3A_617 = tpu.memref_slice %arg7[%gather3A_614, %gather3A_615, %gather3A_616] : memref<2x128x128xf32, #tpu.memory_space<vmem>> -> memref<1x128x128xf32, #tpu.memory_space<vmem>>
        %gather3A_618 = tpu.memref_squeeze %gather3A_617 : memref<1x128x128xf32, #tpu.memory_space<vmem>> -> memref<128x128xf32, #tpu.memory_space<vmem>>
        %gather3A_619 = tpu.vector_load_idx %gather3A_618[%add3A_461, %add3A_613] : memref<128x128xf32, #tpu.memory_space<vmem>>[vector<16xi32>, vector<16xi32>], vector<16xf32>,
        %add3A_620 = arith.constant 9 : i32
        %add3A_621 = vector.broadcast %add3A_620 : i32 to vector<16xi32>
        %add3A_622 = arith.addi %iota3A, %add3A_621 : vector<16xi32>
        %and3A_623 = arith.constant 15 : i32
        %and3A_624 = vector.broadcast %and3A_623 : i32 to vector<16xi32>
        %and3A_625 = arith.andi %add3A_622, %and3A_624 : vector<16xi32>
        %add3A_626 = arith.addi %broadcast_in_dim3A_464, %and3A_625 : vector<16xi32>
        %gather3A_627 = arith.constant 0 : i32
        %gather3A_628 = arith.constant 0 : i32
        %gather3A_629 = arith.constant 0 : i32
        %gather3A_630 = tpu.memref_slice %arg7[%gather3A_627, %gather3A_628, %gather3A_629] : memref<2x128x128xf32, #tpu.memory_space<vmem>> -> memref<1x128x128xf32, #tpu.memory_space<vmem>>
        %gather3A_631 = tpu.memref_squeeze %gather3A_630 : memref<1x128x128xf32, #tpu.memory_space<vmem>> -> memref<128x128xf32, #tpu.memory_space<vmem>>
        %gather3A_632 = tpu.vector_load_idx %gather3A_631[%add3A_461, %add3A_626] : memref<128x128xf32, #tpu.memory_space<vmem>>[vector<16xi32>, vector<16xi32>], vector<16xf32>,
        %add3A_633 = arith.constant 10 : i32
        %add3A_634 = vector.broadcast %add3A_633 : i32 to vector<16xi32>
        %add3A_635 = arith.addi %iota3A, %add3A_634 : vector<16xi32>
        %and3A_636 = arith.constant 15 : i32
        %and3A_637 = vector.broadcast %and3A_636 : i32 to vector<16xi32>
        %and3A_638 = arith.andi %add3A_635, %and3A_637 : vector<16xi32>
        %add3A_639 = arith.addi %broadcast_in_dim3A_464, %and3A_638 : vector<16xi32>
        %gather3A_640 = arith.constant 0 : i32
        %gather3A_641 = arith.constant 0 : i32
        %gather3A_642 = arith.constant 0 : i32
        %gather3A_643 = tpu.memref_slice %arg7[%gather3A_640, %gather3A_641, %gather3A_642] : memref<2x128x128xf32, #tpu.memory_space<vmem>> -> memref<1x128x128xf32, #tpu.memory_space<vmem>>
        %gather3A_644 = tpu.memref_squeeze %gather3A_643 : memref<1x128x128xf32, #tpu.memory_space<vmem>> -> memref<128x128xf32, #tpu.memory_space<vmem>>
        %gather3A_645 = tpu.vector_load_idx %gather3A_644[%add3A_461, %add3A_639] : memref<128x128xf32, #tpu.memory_space<vmem>>[vector<16xi32>, vector<16xi32>], vector<16xf32>,
        %add3A_646 = arith.constant 11 : i32
        %add3A_647 = vector.broadcast %add3A_646 : i32 to vector<16xi32>
        %add3A_648 = arith.addi %iota3A, %add3A_647 : vector<16xi32>
        %and3A_649 = arith.constant 15 : i32
        %and3A_650 = vector.broadcast %and3A_649 : i32 to vector<16xi32>
        %and3A_651 = arith.andi %add3A_648, %and3A_650 : vector<16xi32>
        %add3A_652 = arith.addi %broadcast_in_dim3A_464, %and3A_651 : vector<16xi32>
        %gather3A_653 = arith.constant 0 : i32
        %gather3A_654 = arith.constant 0 : i32
        %gather3A_655 = arith.constant 0 : i32
        %gather3A_656 = tpu.memref_slice %arg7[%gather3A_653, %gather3A_654, %gather3A_655] : memref<2x128x128xf32, #tpu.memory_space<vmem>> -> memref<1x128x128xf32, #tpu.memory_space<vmem>>
        %gather3A_657 = tpu.memref_squeeze %gather3A_656 : memref<1x128x128xf32, #tpu.memory_space<vmem>> -> memref<128x128xf32, #tpu.memory_space<vmem>>
        %gather3A_658 = tpu.vector_load_idx %gather3A_657[%add3A_461, %add3A_652] : memref<128x128xf32, #tpu.memory_space<vmem>>[vector<16xi32>, vector<16xi32>], vector<16xf32>,
        %scatter3A_659 = arith.constant 0 : i32
        %scatter3A_660 = arith.constant 0 : i32
        %scatter3A_661 = arith.constant 0 : i32
        %scatter3A_662 = tpu.memref_slice %arg8[%scatter3A_659, %scatter3A_660, %scatter3A_661] : memref<2x64x128xf32, #tpu.memory_space<vmem>> -> memref<1x64x128xf32, #tpu.memory_space<vmem>>
        %scatter3A_663 = tpu.memref_squeeze %scatter3A_662 : memref<1x64x128xf32, #tpu.memory_space<vmem>> -> memref<64x128xf32, #tpu.memory_space<vmem>>
        tpu.vector_store_idx %scatter3A_663[%add3A_613, %add3A_461], %gather3A_619 : memref<64x128xf32, #tpu.memory_space<vmem>>[vector<16xi32>, vector<16xi32>], vector<16xf32>,
        %scatter3A_664 = arith.constant 0 : i32
        %scatter3A_665 = arith.constant 0 : i32
        %scatter3A_666 = arith.constant 0 : i32
        %scatter3A_667 = tpu.memref_slice %arg8[%scatter3A_664, %scatter3A_665, %scatter3A_666] : memref<2x64x128xf32, #tpu.memory_space<vmem>> -> memref<1x64x128xf32, #tpu.memory_space<vmem>>
        %scatter3A_668 = tpu.memref_squeeze %scatter3A_667 : memref<1x64x128xf32, #tpu.memory_space<vmem>> -> memref<64x128xf32, #tpu.memory_space<vmem>>
        tpu.vector_store_idx %scatter3A_668[%add3A_626, %add3A_461], %gather3A_632 : memref<64x128xf32, #tpu.memory_space<vmem>>[vector<16xi32>, vector<16xi32>], vector<16xf32>,
        %scatter3A_669 = arith.constant 0 : i32
        %scatter3A_670 = arith.constant 0 : i32
        %scatter3A_671 = arith.constant 0 : i32
        %scatter3A_672 = tpu.memref_slice %arg8[%scatter3A_669, %scatter3A_670, %scatter3A_671] : memref<2x64x128xf32, #tpu.memory_space<vmem>> -> memref<1x64x128xf32, #tpu.memory_space<vmem>>
        %scatter3A_673 = tpu.memref_squeeze %scatter3A_672 : memref<1x64x128xf32, #tpu.memory_space<vmem>> -> memref<64x128xf32, #tpu.memory_space<vmem>>
        tpu.vector_store_idx %scatter3A_673[%add3A_639, %add3A_461], %gather3A_645 : memref<64x128xf32, #tpu.memory_space<vmem>>[vector<16xi32>, vector<16xi32>], vector<16xf32>,
        %scatter3A_674 = arith.constant 0 : i32
        %scatter3A_675 = arith.constant 0 : i32
        %scatter3A_676 = arith.constant 0 : i32
        %scatter3A_677 = tpu.memref_slice %arg8[%scatter3A_674, %scatter3A_675, %scatter3A_676] : memref<2x64x128xf32, #tpu.memory_space<vmem>> -> memref<1x64x128xf32, #tpu.memory_space<vmem>>
        %scatter3A_678 = tpu.memref_squeeze %scatter3A_677 : memref<1x64x128xf32, #tpu.memory_space<vmem>> -> memref<64x128xf32, #tpu.memory_space<vmem>>
        tpu.vector_store_idx %scatter3A_678[%add3A_652, %add3A_461], %gather3A_658 : memref<64x128xf32, #tpu.memory_space<vmem>>[vector<16xi32>, vector<16xi32>], vector<16xf32>,
        %add3A_679 = arith.constant 12 : i32
        %add3A_680 = vector.broadcast %add3A_679 : i32 to vector<16xi32>
        %add3A_681 = arith.addi %iota3A, %add3A_680 : vector<16xi32>
        %and3A_682 = arith.constant 15 : i32
        %and3A_683 = vector.broadcast %and3A_682 : i32 to vector<16xi32>
        %and3A_684 = arith.andi %add3A_681, %and3A_683 : vector<16xi32>
        %add3A_685 = arith.addi %broadcast_in_dim3A_464, %and3A_684 : vector<16xi32>
        %gather3A_686 = arith.constant 0 : i32
        %gather3A_687 = arith.constant 0 : i32
        %gather3A_688 = arith.constant 0 : i32
        %gather3A_689 = tpu.memref_slice %arg7[%gather3A_686, %gather3A_687, %gather3A_688] : memref<2x128x128xf32, #tpu.memory_space<vmem>> -> memref<1x128x128xf32, #tpu.memory_space<vmem>>
        %gather3A_690 = tpu.memref_squeeze %gather3A_689 : memref<1x128x128xf32, #tpu.memory_space<vmem>> -> memref<128x128xf32, #tpu.memory_space<vmem>>
        %gather3A_691 = tpu.vector_load_idx %gather3A_690[%add3A_461, %add3A_685] : memref<128x128xf32, #tpu.memory_space<vmem>>[vector<16xi32>, vector<16xi32>], vector<16xf32>,
        %add3A_692 = arith.constant 13 : i32
        %add3A_693 = vector.broadcast %add3A_692 : i32 to vector<16xi32>
        %add3A_694 = arith.addi %iota3A, %add3A_693 : vector<16xi32>
        %and3A_695 = arith.constant 15 : i32
        %and3A_696 = vector.broadcast %and3A_695 : i32 to vector<16xi32>
        %and3A_697 = arith.andi %add3A_694, %and3A_696 : vector<16xi32>
        %add3A_698 = arith.addi %broadcast_in_dim3A_464, %and3A_697 : vector<16xi32>
        %gather3A_699 = arith.constant 0 : i32
        %gather3A_700 = arith.constant 0 : i32
        %gather3A_701 = arith.constant 0 : i32
        %gather3A_702 = tpu.memref_slice %arg7[%gather3A_699, %gather3A_700, %gather3A_701] : memref<2x128x128xf32, #tpu.memory_space<vmem>> -> memref<1x128x128xf32, #tpu.memory_space<vmem>>
        %gather3A_703 = tpu.memref_squeeze %gather3A_702 : memref<1x128x128xf32, #tpu.memory_space<vmem>> -> memref<128x128xf32, #tpu.memory_space<vmem>>
        %gather3A_704 = tpu.vector_load_idx %gather3A_703[%add3A_461, %add3A_698] : memref<128x128xf32, #tpu.memory_space<vmem>>[vector<16xi32>, vector<16xi32>], vector<16xf32>,
        %add3A_705 = arith.constant 14 : i32
        %add3A_706 = vector.broadcast %add3A_705 : i32 to vector<16xi32>
        %add3A_707 = arith.addi %iota3A, %add3A_706 : vector<16xi32>
        %and3A_708 = arith.constant 15 : i32
        %and3A_709 = vector.broadcast %and3A_708 : i32 to vector<16xi32>
        %and3A_710 = arith.andi %add3A_707, %and3A_709 : vector<16xi32>
        %add3A_711 = arith.addi %broadcast_in_dim3A_464, %and3A_710 : vector<16xi32>
        %gather3A_712 = arith.constant 0 : i32
        %gather3A_713 = arith.constant 0 : i32
        %gather3A_714 = arith.constant 0 : i32
        %gather3A_715 = tpu.memref_slice %arg7[%gather3A_712, %gather3A_713, %gather3A_714] : memref<2x128x128xf32, #tpu.memory_space<vmem>> -> memref<1x128x128xf32, #tpu.memory_space<vmem>>
        %gather3A_716 = tpu.memref_squeeze %gather3A_715 : memref<1x128x128xf32, #tpu.memory_space<vmem>> -> memref<128x128xf32, #tpu.memory_space<vmem>>
        %gather3A_717 = tpu.vector_load_idx %gather3A_716[%add3A_461, %add3A_711] : memref<128x128xf32, #tpu.memory_space<vmem>>[vector<16xi32>, vector<16xi32>], vector<16xf32>,
        %add3A_718 = arith.constant 15 : i32
        %add3A_719 = vector.broadcast %add3A_718 : i32 to vector<16xi32>
        %add3A_720 = arith.addi %iota3A, %add3A_719 : vector<16xi32>
        %and3A_721 = arith.constant 15 : i32
        %and3A_722 = vector.broadcast %and3A_721 : i32 to vector<16xi32>
        %and3A_723 = arith.andi %add3A_720, %and3A_722 : vector<16xi32>
        %add3A_724 = arith.addi %broadcast_in_dim3A_464, %and3A_723 : vector<16xi32>
        %gather3A_725 = arith.constant 0 : i32
        %gather3A_726 = arith.constant 0 : i32
        %gather3A_727 = arith.constant 0 : i32
        %gather3A_728 = tpu.memref_slice %arg7[%gather3A_725, %gather3A_726, %gather3A_727] : memref<2x128x128xf32, #tpu.memory_space<vmem>> -> memref<1x128x128xf32, #tpu.memory_space<vmem>>
        %gather3A_729 = tpu.memref_squeeze %gather3A_728 : memref<1x128x128xf32, #tpu.memory_space<vmem>> -> memref<128x128xf32, #tpu.memory_space<vmem>>
        %gather3A_730 = tpu.vector_load_idx %gather3A_729[%add3A_461, %add3A_724] : memref<128x128xf32, #tpu.memory_space<vmem>>[vector<16xi32>, vector<16xi32>], vector<16xf32>,
        %scatter3A_731 = arith.constant 0 : i32
        %scatter3A_732 = arith.constant 0 : i32
        %scatter3A_733 = arith.constant 0 : i32
        %scatter3A_734 = tpu.memref_slice %arg8[%scatter3A_731, %scatter3A_732, %scatter3A_733] : memref<2x64x128xf32, #tpu.memory_space<vmem>> -> memref<1x64x128xf32, #tpu.memory_space<vmem>>
        %scatter3A_735 = tpu.memref_squeeze %scatter3A_734 : memref<1x64x128xf32, #tpu.memory_space<vmem>> -> memref<64x128xf32, #tpu.memory_space<vmem>>
        tpu.vector_store_idx %scatter3A_735[%add3A_685, %add3A_461], %gather3A_691 : memref<64x128xf32, #tpu.memory_space<vmem>>[vector<16xi32>, vector<16xi32>], vector<16xf32>,
        %scatter3A_736 = arith.constant 0 : i32
        %scatter3A_737 = arith.constant 0 : i32
        %scatter3A_738 = arith.constant 0 : i32
        %scatter3A_739 = tpu.memref_slice %arg8[%scatter3A_736, %scatter3A_737, %scatter3A_738] : memref<2x64x128xf32, #tpu.memory_space<vmem>> -> memref<1x64x128xf32, #tpu.memory_space<vmem>>
        %scatter3A_740 = tpu.memref_squeeze %scatter3A_739 : memref<1x64x128xf32, #tpu.memory_space<vmem>> -> memref<64x128xf32, #tpu.memory_space<vmem>>
        tpu.vector_store_idx %scatter3A_740[%add3A_698, %add3A_461], %gather3A_704 : memref<64x128xf32, #tpu.memory_space<vmem>>[vector<16xi32>, vector<16xi32>], vector<16xf32>,
        %scatter3A_741 = arith.constant 0 : i32
        %scatter3A_742 = arith.constant 0 : i32
        %scatter3A_743 = arith.constant 0 : i32
        %scatter3A_744 = tpu.memref_slice %arg8[%scatter3A_741, %scatter3A_742, %scatter3A_743] : memref<2x64x128xf32, #tpu.memory_space<vmem>> -> memref<1x64x128xf32, #tpu.memory_space<vmem>>
        %scatter3A_745 = tpu.memref_squeeze %scatter3A_744 : memref<1x64x128xf32, #tpu.memory_space<vmem>> -> memref<64x128xf32, #tpu.memory_space<vmem>>
        tpu.vector_store_idx %scatter3A_745[%add3A_711, %add3A_461], %gather3A_717 : memref<64x128xf32, #tpu.memory_space<vmem>>[vector<16xi32>, vector<16xi32>], vector<16xf32>,
        %scatter3A_746 = arith.constant 0 : i32
        %scatter3A_747 = arith.constant 0 : i32
        %scatter3A_748 = arith.constant 0 : i32
        %scatter3A_749 = tpu.memref_slice %arg8[%scatter3A_746, %scatter3A_747, %scatter3A_748] : memref<2x64x128xf32, #tpu.memory_space<vmem>> -> memref<1x64x128xf32, #tpu.memory_space<vmem>>
        %scatter3A_750 = tpu.memref_squeeze %scatter3A_749 : memref<1x64x128xf32, #tpu.memory_space<vmem>> -> memref<64x128xf32, #tpu.memory_space<vmem>>
        tpu.vector_store_idx %scatter3A_750[%add3A_724, %add3A_461], %gather3A_730 : memref<64x128xf32, #tpu.memory_space<vmem>>[vector<16xi32>, vector<16xi32>], vector<16xf32>,
      }
      %scan3A_214 = arith.constant 32 : i32
      %dma_start3A_215 = arith.constant 0 : i32
      %dma_start3A_216 = arith.constant 0 : i32
      %dma_start3A_217 = arith.constant 0 : i32
      %dma_start3A_218 = tpu.memref_slice %arg8[%dma_start3A_215, %dma_start3A_216, %dma_start3A_217] : memref<2x64x128xf32, #tpu.memory_space<vmem>> -> memref<1x64x128xf32, #tpu.memory_space<vmem>>
      %dma_start3A_219 = tpu.memref_squeeze %dma_start3A_218 : memref<1x64x128xf32, #tpu.memory_space<vmem>> -> memref<64x128xf32, #tpu.memory_space<vmem>>
      %dma_start3A_220 = arith.constant 0 : i32
      %dma_start3A_221 = tpu.memref_slice %arg5[%add3A_55, %dma_start3A_220, %mul3A_2] : memref<200x64x4096xf32, #tpu.memory_space<hbm>> -> memref<1x64x128xf32, #tpu.memory_space<hbm>>
      %dma_start3A_222 = tpu.memref_squeeze %dma_start3A_221 : memref<1x64x128xf32, #tpu.memory_space<hbm>> -> memref<64x128xf32, #tpu.memory_space<hbm>>
      %dma_start3A_223 = arith.constant 0 : i32
      %dma_start3A_224 = tpu.memref_slice %arg5[%add3A_55, %dma_start3A_223, %mul3A_2] : memref<200x64x4096xf32, #tpu.memory_space<hbm>> -> memref<1x64x128xf32, #tpu.memory_space<hbm>>
      %dma_start3A_225 = tpu.memref_squeeze %dma_start3A_224 : memref<1x64x128xf32, #tpu.memory_space<hbm>> -> memref<64x128xf32, #tpu.memory_space<hbm>>
      %dma_start3A_226 = arith.constant 0 : i32
      %dma_start3A_227 = arith.constant 0 : i32
      %dma_start3A_228 = tpu.memref_slice %arg8[%dma_start3A_215, %dma_start3A_226, %dma_start3A_227] : memref<2x64x128xf32, #tpu.memory_space<vmem>> -> memref<1x64x128xf32, #tpu.memory_space<vmem>>
      %dma_start3A_229 = tpu.memref_squeeze %dma_start3A_228 : memref<1x64x128xf32, #tpu.memory_space<vmem>> -> memref<64x128xf32, #tpu.memory_space<vmem>>
      tpu.enqueue_dma source(%dma_start3A_229 : memref<64x128xf32, #tpu.memory_space<vmem>>) target(%dma_start3A_225 : memref<64x128xf32, #tpu.memory_space<hbm>>) target_semaphore(%arg12 : memref<!tpu.dma_semaphore, #tpu.memory_space<semaphore_mem>>)
      %add3A_230 = arith.constant 1 : i32
      %add3A_231 = arith.addi %add3A_53, %add3A_230 : i32
      %add3A_232 = arith.constant 1 : i32
      %add3A_233 = arith.addi %add3A_231, %add3A_232 : i32
      %lt3A_234 = arith.constant 200 : i32
      %lt3A_235 = arith.cmpi slt, %add3A_233, %lt3A_234 : i32
      %convert_element_type3A_236 = arith.extui %lt3A_235 : i1 to i32
      %cond3A_237 = arith.constant 0 : i32
      %cond3A_238 = arith.cmpi ne, %convert_element_type3A_236, %cond3A_237 : i32
      scf.if %cond3A_238 {
        %add3A_414 = arith.constant 1 : i32
        %add3A_415 = arith.addi %add3A_231, %add3A_414 : i32
        %dma_start3A_416 = arith.constant 0 : i32
        %dma_start3A_417 = arith.constant 0 : i32
        %dma_start3A_418 = arith.constant 0 : i32
        %dma_start3A_419 = tpu.memref_slice %arg7[%dma_start3A_416, %dma_start3A_417, %dma_start3A_418] : memref<2x128x128xf32, #tpu.memory_space<vmem>> -> memref<1x128x128xf32, #tpu.memory_space<vmem>>
        %dma_start3A_420 = tpu.memref_squeeze %dma_start3A_419 : memref<1x128x128xf32, #tpu.memory_space<vmem>> -> memref<128x128xf32, #tpu.memory_space<vmem>>
        %dma_start3A_421 = arith.constant 0 : i32
        %dma_start3A_422 = tpu.memref_slice %arg6[%add3A_415, %dma_start3A_421] : memref<200x128xi32, #tpu.memory_space<vmem>> -> memref<1x128xi32, #tpu.memory_space<vmem>>
        %dma_start3A_423 = tpu.memref_squeeze %dma_start3A_422 : memref<1x128xi32, #tpu.memory_space<vmem>> -> memref<128xi32, #tpu.memory_space<vmem>>
        %dma_start3A_424 = arith.constant 0 : i32
        %dma_start3A_425 = arith.constant 0 : i32
        %dma_start3A_426 = tpu.memref_slice %arg3[%dma_start3A_424, %dma_start3A_425] : memref<100001x128xf32, #tpu.memory_space<hbm>> -> memref<100001x128xf32, #tpu.memory_space<hbm>>
        tpu.enqueue_indirect_dma source(%dma_start3A_426 : memref<100001x128xf32, #tpu.memory_space<hbm>>) target(%dma_start3A_420 : memref<128x128xf32, #tpu.memory_space<vmem>>) offsets(%dma_start3A_423 : memref<128xi32, #tpu.memory_space<vmem>>) semaphore(%arg10 : memref<!tpu.dma_semaphore, #tpu.memory_space<semaphore_mem>>)
      } else {
      }
      %ge3A_239 = arith.constant 2 : i32
      %ge3A_240 = arith.cmpi sge, %add3A_231, %ge3A_239 : i32
      %convert_element_type3A_241 = arith.extui %ge3A_240 : i1 to i32
      %cond3A_242 = arith.constant 0 : i32
      %cond3A_243 = arith.cmpi ne, %convert_element_type3A_241, %cond3A_242 : i32
      scf.if %cond3A_243 {
        %sub3A_414 = arith.constant 2 : i32
        %sub3A_415 = arith.subi %add3A_231, %sub3A_414 : i32
        %dma_wait3A_416 = arith.constant 1 : i32
        %dma_wait3A_417 = arith.constant 0 : i32
        %dma_wait3A_418 = arith.constant 0 : i32
        %dma_wait3A_419 = tpu.memref_slice %arg8[%dma_wait3A_416, %dma_wait3A_417, %dma_wait3A_418] : memref<2x64x128xf32, #tpu.memory_space<vmem>> -> memref<1x64x128xf32, #tpu.memory_space<vmem>>
        %dma_wait3A_420 = tpu.memref_squeeze %dma_wait3A_419 : memref<1x64x128xf32, #tpu.memory_space<vmem>> -> memref<64x128xf32, #tpu.memory_space<vmem>>
        %dma_wait3A_421 = arith.constant 0 : i32
        %dma_wait3A_422 = tpu.memref_slice %arg5[%sub3A_415, %dma_wait3A_421, %mul3A_2] : memref<200x64x4096xf32, #tpu.memory_space<hbm>> -> memref<1x64x128xf32, #tpu.memory_space<hbm>>
        %dma_wait3A_423 = tpu.memref_squeeze %dma_wait3A_422 : memref<1x64x128xf32, #tpu.memory_space<hbm>> -> memref<64x128xf32, #tpu.memory_space<hbm>>
        %dma_wait3A_424 = arith.constant 0 : i32
        %dma_wait3A_425 = tpu.memref_slice %arg5[%sub3A_415, %dma_wait3A_424, %mul3A_2] : memref<200x64x4096xf32, #tpu.memory_space<hbm>> -> memref<1x64x128xf32, #tpu.memory_space<hbm>>
        %dma_wait3A_426 = tpu.memref_squeeze %dma_wait3A_425 : memref<1x64x128xf32, #tpu.memory_space<hbm>> -> memref<64x128xf32, #tpu.memory_space<hbm>>
        %dma_wait3A_427 = arith.constant 0 : i32
        %dma_wait3A_428 = arith.constant 0 : i32
        %dma_wait3A_429 = tpu.memref_slice %arg8[%dma_wait3A_416, %dma_wait3A_427, %dma_wait3A_428] : memref<2x64x128xf32, #tpu.memory_space<vmem>> -> memref<1x64x128xf32, #tpu.memory_space<vmem>>
        %dma_wait3A_430 = tpu.memref_squeeze %dma_wait3A_429 : memref<1x64x128xf32, #tpu.memory_space<vmem>> -> memref<64x128xf32, #tpu.memory_space<vmem>>
        tpu.wait_dma2 semaphore(%arg13 : memref<!tpu.dma_semaphore, #tpu.memory_space<semaphore_mem>>) src(%dma_wait3A_430 : memref<64x128xf32, #tpu.memory_space<vmem>>) dst(%dma_wait3A_426 : memref<64x128xf32, #tpu.memory_space<hbm>>)
      } else {
      }
      %dma_wait3A_244 = arith.constant 1 : i32
      %dma_wait3A_245 = arith.constant 0 : i32
      %dma_wait3A_246 = arith.constant 0 : i32
      %dma_wait3A_247 = tpu.memref_slice %arg7[%dma_wait3A_244, %dma_wait3A_245, %dma_wait3A_246] : memref<2x128x128xf32, #tpu.memory_space<vmem>> -> memref<1x128x128xf32, #tpu.memory_space<vmem>>
      %dma_wait3A_248 = tpu.memref_squeeze %dma_wait3A_247 : memref<1x128x128xf32, #tpu.memory_space<vmem>> -> memref<128x128xf32, #tpu.memory_space<vmem>>
      %dma_wait3A_249 = arith.constant 0 : i32
      %dma_wait3A_250 = tpu.memref_slice %arg6[%add3A_231, %dma_wait3A_249] : memref<200x128xi32, #tpu.memory_space<vmem>> -> memref<1x128xi32, #tpu.memory_space<vmem>>
      %dma_wait3A_251 = tpu.memref_squeeze %dma_wait3A_250 : memref<1x128xi32, #tpu.memory_space<vmem>> -> memref<128xi32, #tpu.memory_space<vmem>>
      %dma_wait3A_252 = arith.constant 0 : i32
      %dma_wait3A_253 = arith.constant 0 : i32
      %dma_wait3A_254 = tpu.memref_slice %arg3[%dma_wait3A_252, %dma_wait3A_253] : memref<100001x128xf32, #tpu.memory_space<hbm>> -> memref<100001x128xf32, #tpu.memory_space<hbm>>
      tpu.wait_indirect_dma semaphore(%arg11 : memref<!tpu.dma_semaphore, #tpu.memory_space<semaphore_mem>>) src(%dma_wait3A_254 : memref<100001x128xf32, #tpu.memory_space<hbm>>) dst(%dma_wait3A_248 : memref<128x128xf32, #tpu.memory_space<vmem>>)
      %jit3A_255 = arith.constant 2 : i32
      %eq3A_256 = arith.constant 0 : i32
      %eq3A_257 = arith.cmpi eq, %jit3A_255, %eq3A_256 : i32
      %jit3A_258 = arith.constant 1 : i32
      %select_n3A_259 = arith.select %eq3A_257, %jit3A_258, %jit3A_255 : i32
      %rem3A_260 = arith.remsi %add3A_231, %select_n3A_259 : i32
      %ne3A_261 = arith.constant 0 : i32
      %ne3A_262 = arith.cmpi ne, %rem3A_260, %ne3A_261 : i32
      %lt3A_263 = arith.constant 0 : i32
      %lt3A_264 = arith.cmpi slt, %rem3A_260, %lt3A_263 : i32
      %lt3A_265 = arith.constant 0 : i32
      %lt3A_266 = arith.cmpi slt, %select_n3A_259, %lt3A_265 : i32
      %ne3A_267 = arith.xori %lt3A_264, %lt3A_266 : i1
      %and3A_268 = arith.andi %ne3A_267, %ne3A_262 : i1
      %add3A_269 = arith.addi %rem3A_260, %select_n3A_259 : i32
      %select_n3A_270 = arith.select %and3A_268, %add3A_269, %rem3A_260 : i32
      %mul3A_271 = arith.constant 64 : i32
      %mul3A_272 = arith.muli %select_n3A_270, %mul3A_271 : i32
      %jit3A_273 = arith.constant 2 : i32
      %div3A_274 = arith.divsi %add3A_231, %jit3A_273 : i32
      %sign3A_275 = arith.constant 0 : i32
      %sign3A_276 = arith.cmpi sgt, %add3A_231, %sign3A_275 : i32
      %sign3A_277 = arith.extui %sign3A_276 : i1 to i32
      %sign3A_278 = arith.constant 0 : i32
      %sign3A_279 = arith.cmpi slt, %add3A_231, %sign3A_278 : i32
      %sign3A_280 = arith.extui %sign3A_279 : i1 to i32
      %sign3A_281 = arith.subi %sign3A_277, %sign3A_280 : i32
      %sign3A_282 = arith.constant 0 : i32
      %sign3A_283 = arith.cmpi sgt, %jit3A_273, %sign3A_282 : i32
      %sign3A_284 = arith.extui %sign3A_283 : i1 to i32
      %sign3A_285 = arith.constant 0 : i32
      %sign3A_286 = arith.cmpi slt, %jit3A_273, %sign3A_285 : i32
      %sign3A_287 = arith.extui %sign3A_286 : i1 to i32
      %sign3A_288 = arith.subi %sign3A_284, %sign3A_287 : i32
      %ne3A_289 = arith.cmpi ne, %sign3A_281, %sign3A_288 : i32
      %rem3A_290 = arith.remsi %add3A_231, %jit3A_273 : i32
      %ne3A_291 = arith.constant 0 : i32
      %ne3A_292 = arith.cmpi ne, %rem3A_290, %ne3A_291 : i32
      %and3A_293 = arith.andi %ne3A_289, %ne3A_292 : i1
      %sub3A_294 = arith.constant 1 : i32
      %sub3A_295 = arith.subi %div3A_274, %sub3A_294 : i32
      %select_n3A_296 = arith.select %and3A_293, %sub3A_295, %div3A_274 : i32
      %add3A_297 = arith.constant 0 : i32
      %add3A_298 = arith.addi %mul3A_272, %add3A_297 : i32
      %get3A_299 = arith.index_cast %select_n3A_296 : i32 to index
      %get3A_300 = arith.index_cast %add3A_298 : i32 to index
      %get3A_301 = tpu.vector_load %arg9[%get3A_299, %get3A_300] {strides = array<i32>} : memref<100x128xf32, #tpu.memory_space<vmem>>, vector<16xf32>,
      %jit3A_302 = arith.constant 2 : i32
      %div3A_303 = arith.divsi %add3A_231, %jit3A_302 : i32
      %sign3A_304 = arith.constant 0 : i32
      %sign3A_305 = arith.cmpi sgt, %add3A_231, %sign3A_304 : i32
      %sign3A_306 = arith.extui %sign3A_305 : i1 to i32
      %sign3A_307 = arith.constant 0 : i32
      %sign3A_308 = arith.cmpi slt, %add3A_231, %sign3A_307 : i32
      %sign3A_309 = arith.extui %sign3A_308 : i1 to i32
      %sign3A_310 = arith.subi %sign3A_306, %sign3A_309 : i32
      %sign3A_311 = arith.constant 0 : i32
      %sign3A_312 = arith.cmpi sgt, %jit3A_302, %sign3A_311 : i32
      %sign3A_313 = arith.extui %sign3A_312 : i1 to i32
      %sign3A_314 = arith.constant 0 : i32
      %sign3A_315 = arith.cmpi slt, %jit3A_302, %sign3A_314 : i32
      %sign3A_316 = arith.extui %sign3A_315 : i1 to i32
      %sign3A_317 = arith.subi %sign3A_313, %sign3A_316 : i32
      %ne3A_318 = arith.cmpi ne, %sign3A_310, %sign3A_317 : i32
      %rem3A_319 = arith.remsi %add3A_231, %jit3A_302 : i32
      %ne3A_320 = arith.constant 0 : i32
      %ne3A_321 = arith.cmpi ne, %rem3A_319, %ne3A_320 : i32
      %and3A_322 = arith.andi %ne3A_318, %ne3A_321 : i1
      %sub3A_323 = arith.constant 1 : i32
      %sub3A_324 = arith.subi %div3A_303, %sub3A_323 : i32
      %select_n3A_325 = arith.select %and3A_322, %sub3A_324, %div3A_303 : i32
      %add3A_326 = arith.constant 16 : i32
      %add3A_327 = arith.addi %mul3A_272, %add3A_326 : i32
      %get3A_328 = arith.index_cast %select_n3A_325 : i32 to index
      %get3A_329 = arith.index_cast %add3A_327 : i32 to index
      %get3A_330 = tpu.vector_load %arg9[%get3A_328, %get3A_329] {strides = array<i32>} : memref<100x128xf32, #tpu.memory_space<vmem>>, vector<16xf32>,
      %jit3A_331 = arith.constant 2 : i32
      %div3A_332 = arith.divsi %add3A_231, %jit3A_331 : i32
      %sign3A_333 = arith.constant 0 : i32
      %sign3A_334 = arith.cmpi sgt, %add3A_231, %sign3A_333 : i32
      %sign3A_335 = arith.extui %sign3A_334 : i1 to i32
      %sign3A_336 = arith.constant 0 : i32
      %sign3A_337 = arith.cmpi slt, %add3A_231, %sign3A_336 : i32
      %sign3A_338 = arith.extui %sign3A_337 : i1 to i32
      %sign3A_339 = arith.subi %sign3A_335, %sign3A_338 : i32
      %sign3A_340 = arith.constant 0 : i32
      %sign3A_341 = arith.cmpi sgt, %jit3A_331, %sign3A_340 : i32
      %sign3A_342 = arith.extui %sign3A_341 : i1 to i32
      %sign3A_343 = arith.constant 0 : i32
      %sign3A_344 = arith.cmpi slt, %jit3A_331, %sign3A_343 : i32
      %sign3A_345 = arith.extui %sign3A_344 : i1 to i32
      %sign3A_346 = arith.subi %sign3A_342, %sign3A_345 : i32
      %ne3A_347 = arith.cmpi ne, %sign3A_339, %sign3A_346 : i32
      %rem3A_348 = arith.remsi %add3A_231, %jit3A_331 : i32
      %ne3A_349 = arith.constant 0 : i32
      %ne3A_350 = arith.cmpi ne, %rem3A_348, %ne3A_349 : i32
      %and3A_351 = arith.andi %ne3A_347, %ne3A_350 : i1
      %sub3A_352 = arith.constant 1 : i32
      %sub3A_353 = arith.subi %div3A_332, %sub3A_352 : i32
      %select_n3A_354 = arith.select %and3A_351, %sub3A_353, %div3A_332 : i32
      %add3A_355 = arith.constant 32 : i32
      %add3A_356 = arith.addi %mul3A_272, %add3A_355 : i32
      %get3A_357 = arith.index_cast %select_n3A_354 : i32 to index
      %get3A_358 = arith.index_cast %add3A_356 : i32 to index
      %get3A_359 = tpu.vector_load %arg9[%get3A_357, %get3A_358] {strides = array<i32>} : memref<100x128xf32, #tpu.memory_space<vmem>>, vector<16xf32>,
      %jit3A_360 = arith.constant 2 : i32
      %div3A_361 = arith.divsi %add3A_231, %jit3A_360 : i32
      %sign3A_362 = arith.constant 0 : i32
      %sign3A_363 = arith.cmpi sgt, %add3A_231, %sign3A_362 : i32
      %sign3A_364 = arith.extui %sign3A_363 : i1 to i32
      %sign3A_365 = arith.constant 0 : i32
      %sign3A_366 = arith.cmpi slt, %add3A_231, %sign3A_365 : i32
      %sign3A_367 = arith.extui %sign3A_366 : i1 to i32
      %sign3A_368 = arith.subi %sign3A_364, %sign3A_367 : i32
      %sign3A_369 = arith.constant 0 : i32
      %sign3A_370 = arith.cmpi sgt, %jit3A_360, %sign3A_369 : i32
      %sign3A_371 = arith.extui %sign3A_370 : i1 to i32
      %sign3A_372 = arith.constant 0 : i32
      %sign3A_373 = arith.cmpi slt, %jit3A_360, %sign3A_372 : i32
      %sign3A_374 = arith.extui %sign3A_373 : i1 to i32
      %sign3A_375 = arith.subi %sign3A_371, %sign3A_374 : i32
      %ne3A_376 = arith.cmpi ne, %sign3A_368, %sign3A_375 : i32
      %rem3A_377 = arith.remsi %add3A_231, %jit3A_360 : i32
      %ne3A_378 = arith.constant 0 : i32
      %ne3A_379 = arith.cmpi ne, %rem3A_377, %ne3A_378 : i32
      %and3A_380 = arith.andi %ne3A_376, %ne3A_379 : i1
      %sub3A_381 = arith.constant 1 : i32
      %sub3A_382 = arith.subi %div3A_361, %sub3A_381 : i32
      %select_n3A_383 = arith.select %and3A_380, %sub3A_382, %div3A_361 : i32
      %add3A_384 = arith.constant 48 : i32
      %add3A_385 = arith.addi %mul3A_272, %add3A_384 : i32
      %get3A_386 = arith.index_cast %select_n3A_383 : i32 to index
      %get3A_387 = arith.index_cast %add3A_385 : i32 to index
      %get3A_388 = tpu.vector_load %arg9[%get3A_386, %get3A_387] {strides = array<i32>} : memref<100x128xf32, #tpu.memory_space<vmem>>, vector<16xf32>,
      %scan3A_389 = arith.constant 0 : i32
      %scan3A_390 = arith.constant 16 : i32
      %scan3A_391 = arith.addi %scan3A_389, %scan3A_390 : i32
      %scan3A_392 = arith.constant 1 : i32
      scf.for %scan3A_414 = %scan3A_389 to %scan3A_391 step %scan3A_392  : i32 {
        %mul3A_415 = arith.constant 8 : i32
        %mul3A_416 = arith.muli %scan3A_414, %mul3A_415 : i32
        %add3A_417 = arith.constant 0 : i32
        %add3A_418 = arith.addi %add3A_417, %mul3A_416 : i32
        %add3A_419 = arith.constant 0 : i32
        %add3A_420 = arith.addi %add3A_418, %add3A_419 : i32
        %swap3A = arith.constant 1 : i32
        %swap3A_421 = arith.index_cast %swap3A : i32 to index
        %swap3A_422 = arith.index_cast %add3A_420 : i32 to index
        %swap3A_423 = arith.constant 0 : index
        %swap3A_424 = tpu.vector_load %arg7[%swap3A_421, %swap3A_422, %swap3A_423] {strides = array<i32>} : memref<2x128x128xf32, #tpu.memory_space<vmem>>, vector<16xf32>,
        tpu.vector_store %arg7[%swap3A_421, %swap3A_422, %swap3A_423], %get3A_301 {add = true, strides = array<i32>} : memref<2x128x128xf32, #tpu.memory_space<vmem>>, vector<16xf32>,
        %add3A_425 = arith.constant 0 : i32
        %add3A_426 = arith.addi %add3A_418, %add3A_425 : i32
        %swap3A_427 = arith.constant 1 : i32
        %swap3A_428 = arith.index_cast %swap3A_427 : i32 to index
        %swap3A_429 = arith.index_cast %add3A_426 : i32 to index
        %swap3A_430 = arith.constant 16 : index
        %swap3A_431 = tpu.vector_load %arg7[%swap3A_428, %swap3A_429, %swap3A_430] {strides = array<i32>} : memref<2x128x128xf32, #tpu.memory_space<vmem>>, vector<16xf32>,
        tpu.vector_store %arg7[%swap3A_428, %swap3A_429, %swap3A_430], %get3A_330 {add = true, strides = array<i32>} : memref<2x128x128xf32, #tpu.memory_space<vmem>>, vector<16xf32>,
        %add3A_432 = arith.constant 0 : i32
        %add3A_433 = arith.addi %add3A_418, %add3A_432 : i32
        %swap3A_434 = arith.constant 1 : i32
        %swap3A_435 = arith.index_cast %swap3A_434 : i32 to index
        %swap3A_436 = arith.index_cast %add3A_433 : i32 to index
        %swap3A_437 = arith.constant 32 : index
        %swap3A_438 = tpu.vector_load %arg7[%swap3A_435, %swap3A_436, %swap3A_437] {strides = array<i32>} : memref<2x128x128xf32, #tpu.memory_space<vmem>>, vector<16xf32>,
        tpu.vector_store %arg7[%swap3A_435, %swap3A_436, %swap3A_437], %get3A_359 {add = true, strides = array<i32>} : memref<2x128x128xf32, #tpu.memory_space<vmem>>, vector<16xf32>,
        %add3A_439 = arith.constant 0 : i32
        %add3A_440 = arith.addi %add3A_418, %add3A_439 : i32
        %swap3A_441 = arith.constant 1 : i32
        %swap3A_442 = arith.index_cast %swap3A_441 : i32 to index
        %swap3A_443 = arith.index_cast %add3A_440 : i32 to index
        %swap3A_444 = arith.constant 48 : index
        %swap3A_445 = tpu.vector_load %arg7[%swap3A_442, %swap3A_443, %swap3A_444] {strides = array<i32>} : memref<2x128x128xf32, #tpu.memory_space<vmem>>, vector<16xf32>,
        tpu.vector_store %arg7[%swap3A_442, %swap3A_443, %swap3A_444], %get3A_388 {add = true, strides = array<i32>} : memref<2x128x128xf32, #tpu.memory_space<vmem>>, vector<16xf32>,
        %add3A_446 = arith.constant 1 : i32
        %add3A_447 = arith.addi %add3A_418, %add3A_446 : i32
        %swap3A_448 = arith.constant 1 : i32
        %swap3A_449 = arith.index_cast %swap3A_448 : i32 to index
        %swap3A_450 = arith.index_cast %add3A_447 : i32 to index
        %swap3A_451 = arith.constant 0 : index
        %swap3A_452 = tpu.vector_load %arg7[%swap3A_449, %swap3A_450, %swap3A_451] {strides = array<i32>} : memref<2x128x128xf32, #tpu.memory_space<vmem>>, vector<16xf32>,
        tpu.vector_store %arg7[%swap3A_449, %swap3A_450, %swap3A_451], %get3A_301 {add = true, strides = array<i32>} : memref<2x128x128xf32, #tpu.memory_space<vmem>>, vector<16xf32>,
        %add3A_453 = arith.constant 1 : i32
        %add3A_454 = arith.addi %add3A_418, %add3A_453 : i32
        %swap3A_455 = arith.constant 1 : i32
        %swap3A_456 = arith.index_cast %swap3A_455 : i32 to index
        %swap3A_457 = arith.index_cast %add3A_454 : i32 to index
        %swap3A_458 = arith.constant 16 : index
        %swap3A_459 = tpu.vector_load %arg7[%swap3A_456, %swap3A_457, %swap3A_458] {strides = array<i32>} : memref<2x128x128xf32, #tpu.memory_space<vmem>>, vector<16xf32>,
        tpu.vector_store %arg7[%swap3A_456, %swap3A_457, %swap3A_458], %get3A_330 {add = true, strides = array<i32>} : memref<2x128x128xf32, #tpu.memory_space<vmem>>, vector<16xf32>,
        %add3A_460 = arith.constant 1 : i32
        %add3A_461 = arith.addi %add3A_418, %add3A_460 : i32
        %swap3A_462 = arith.constant 1 : i32
        %swap3A_463 = arith.index_cast %swap3A_462 : i32 to index
        %swap3A_464 = arith.index_cast %add3A_461 : i32 to index
        %swap3A_465 = arith.constant 32 : index
        %swap3A_466 = tpu.vector_load %arg7[%swap3A_463, %swap3A_464, %swap3A_465] {strides = array<i32>} : memref<2x128x128xf32, #tpu.memory_space<vmem>>, vector<16xf32>,
        tpu.vector_store %arg7[%swap3A_463, %swap3A_464, %swap3A_465], %get3A_359 {add = true, strides = array<i32>} : memref<2x128x128xf32, #tpu.memory_space<vmem>>, vector<16xf32>,
        %add3A_467 = arith.constant 1 : i32
        %add3A_468 = arith.addi %add3A_418, %add3A_467 : i32
        %swap3A_469 = arith.constant 1 : i32
        %swap3A_470 = arith.index_cast %swap3A_469 : i32 to index
        %swap3A_471 = arith.index_cast %add3A_468 : i32 to index
        %swap3A_472 = arith.constant 48 : index
        %swap3A_473 = tpu.vector_load %arg7[%swap3A_470, %swap3A_471, %swap3A_472] {strides = array<i32>} : memref<2x128x128xf32, #tpu.memory_space<vmem>>, vector<16xf32>,
        tpu.vector_store %arg7[%swap3A_470, %swap3A_471, %swap3A_472], %get3A_388 {add = true, strides = array<i32>} : memref<2x128x128xf32, #tpu.memory_space<vmem>>, vector<16xf32>,
        %add3A_474 = arith.constant 2 : i32
        %add3A_475 = arith.addi %add3A_418, %add3A_474 : i32
        %swap3A_476 = arith.constant 1 : i32
        %swap3A_477 = arith.index_cast %swap3A_476 : i32 to index
        %swap3A_478 = arith.index_cast %add3A_475 : i32 to index
        %swap3A_479 = arith.constant 0 : index
        %swap3A_480 = tpu.vector_load %arg7[%swap3A_477, %swap3A_478, %swap3A_479] {strides = array<i32>} : memref<2x128x128xf32, #tpu.memory_space<vmem>>, vector<16xf32>,
        tpu.vector_store %arg7[%swap3A_477, %swap3A_478, %swap3A_479], %get3A_301 {add = true, strides = array<i32>} : memref<2x128x128xf32, #tpu.memory_space<vmem>>, vector<16xf32>,
        %add3A_481 = arith.constant 2 : i32
        %add3A_482 = arith.addi %add3A_418, %add3A_481 : i32
        %swap3A_483 = arith.constant 1 : i32
        %swap3A_484 = arith.index_cast %swap3A_483 : i32 to index
        %swap3A_485 = arith.index_cast %add3A_482 : i32 to index
        %swap3A_486 = arith.constant 16 : index
        %swap3A_487 = tpu.vector_load %arg7[%swap3A_484, %swap3A_485, %swap3A_486] {strides = array<i32>} : memref<2x128x128xf32, #tpu.memory_space<vmem>>, vector<16xf32>,
        tpu.vector_store %arg7[%swap3A_484, %swap3A_485, %swap3A_486], %get3A_330 {add = true, strides = array<i32>} : memref<2x128x128xf32, #tpu.memory_space<vmem>>, vector<16xf32>,
        %add3A_488 = arith.constant 2 : i32
        %add3A_489 = arith.addi %add3A_418, %add3A_488 : i32
        %swap3A_490 = arith.constant 1 : i32
        %swap3A_491 = arith.index_cast %swap3A_490 : i32 to index
        %swap3A_492 = arith.index_cast %add3A_489 : i32 to index
        %swap3A_493 = arith.constant 32 : index
        %swap3A_494 = tpu.vector_load %arg7[%swap3A_491, %swap3A_492, %swap3A_493] {strides = array<i32>} : memref<2x128x128xf32, #tpu.memory_space<vmem>>, vector<16xf32>,
        tpu.vector_store %arg7[%swap3A_491, %swap3A_492, %swap3A_493], %get3A_359 {add = true, strides = array<i32>} : memref<2x128x128xf32, #tpu.memory_space<vmem>>, vector<16xf32>,
        %add3A_495 = arith.constant 2 : i32
        %add3A_496 = arith.addi %add3A_418, %add3A_495 : i32
        %swap3A_497 = arith.constant 1 : i32
        %swap3A_498 = arith.index_cast %swap3A_497 : i32 to index
        %swap3A_499 = arith.index_cast %add3A_496 : i32 to index
        %swap3A_500 = arith.constant 48 : index
        %swap3A_501 = tpu.vector_load %arg7[%swap3A_498, %swap3A_499, %swap3A_500] {strides = array<i32>} : memref<2x128x128xf32, #tpu.memory_space<vmem>>, vector<16xf32>,
        tpu.vector_store %arg7[%swap3A_498, %swap3A_499, %swap3A_500], %get3A_388 {add = true, strides = array<i32>} : memref<2x128x128xf32, #tpu.memory_space<vmem>>, vector<16xf32>,
        %add3A_502 = arith.constant 3 : i32
        %add3A_503 = arith.addi %add3A_418, %add3A_502 : i32
        %swap3A_504 = arith.constant 1 : i32
        %swap3A_505 = arith.index_cast %swap3A_504 : i32 to index
        %swap3A_506 = arith.index_cast %add3A_503 : i32 to index
        %swap3A_507 = arith.constant 0 : index
        %swap3A_508 = tpu.vector_load %arg7[%swap3A_505, %swap3A_506, %swap3A_507] {strides = array<i32>} : memref<2x128x128xf32, #tpu.memory_space<vmem>>, vector<16xf32>,
        tpu.vector_store %arg7[%swap3A_505, %swap3A_506, %swap3A_507], %get3A_301 {add = true, strides = array<i32>} : memref<2x128x128xf32, #tpu.memory_space<vmem>>, vector<16xf32>,
        %add3A_509 = arith.constant 3 : i32
        %add3A_510 = arith.addi %add3A_418, %add3A_509 : i32
        %swap3A_511 = arith.constant 1 : i32
        %swap3A_512 = arith.index_cast %swap3A_511 : i32 to index
        %swap3A_513 = arith.index_cast %add3A_510 : i32 to index
        %swap3A_514 = arith.constant 16 : index
        %swap3A_515 = tpu.vector_load %arg7[%swap3A_512, %swap3A_513, %swap3A_514] {strides = array<i32>} : memref<2x128x128xf32, #tpu.memory_space<vmem>>, vector<16xf32>,
        tpu.vector_store %arg7[%swap3A_512, %swap3A_513, %swap3A_514], %get3A_330 {add = true, strides = array<i32>} : memref<2x128x128xf32, #tpu.memory_space<vmem>>, vector<16xf32>,
        %add3A_516 = arith.constant 3 : i32
        %add3A_517 = arith.addi %add3A_418, %add3A_516 : i32
        %swap3A_518 = arith.constant 1 : i32
        %swap3A_519 = arith.index_cast %swap3A_518 : i32 to index
        %swap3A_520 = arith.index_cast %add3A_517 : i32 to index
        %swap3A_521 = arith.constant 32 : index
        %swap3A_522 = tpu.vector_load %arg7[%swap3A_519, %swap3A_520, %swap3A_521] {strides = array<i32>} : memref<2x128x128xf32, #tpu.memory_space<vmem>>, vector<16xf32>,
        tpu.vector_store %arg7[%swap3A_519, %swap3A_520, %swap3A_521], %get3A_359 {add = true, strides = array<i32>} : memref<2x128x128xf32, #tpu.memory_space<vmem>>, vector<16xf32>,
        %add3A_523 = arith.constant 3 : i32
        %add3A_524 = arith.addi %add3A_418, %add3A_523 : i32
        %swap3A_525 = arith.constant 1 : i32
        %swap3A_526 = arith.index_cast %swap3A_525 : i32 to index
        %swap3A_527 = arith.index_cast %add3A_524 : i32 to index
        %swap3A_528 = arith.constant 48 : index
        %swap3A_529 = tpu.vector_load %arg7[%swap3A_526, %swap3A_527, %swap3A_528] {strides = array<i32>} : memref<2x128x128xf32, #tpu.memory_space<vmem>>, vector<16xf32>,
        tpu.vector_store %arg7[%swap3A_526, %swap3A_527, %swap3A_528], %get3A_388 {add = true, strides = array<i32>} : memref<2x128x128xf32, #tpu.memory_space<vmem>>, vector<16xf32>,
        %add3A_530 = arith.constant 4 : i32
        %add3A_531 = arith.addi %add3A_418, %add3A_530 : i32
        %swap3A_532 = arith.constant 1 : i32
        %swap3A_533 = arith.index_cast %swap3A_532 : i32 to index
        %swap3A_534 = arith.index_cast %add3A_531 : i32 to index
        %swap3A_535 = arith.constant 0 : index
        %swap3A_536 = tpu.vector_load %arg7[%swap3A_533, %swap3A_534, %swap3A_535] {strides = array<i32>} : memref<2x128x128xf32, #tpu.memory_space<vmem>>, vector<16xf32>,
        tpu.vector_store %arg7[%swap3A_533, %swap3A_534, %swap3A_535], %get3A_301 {add = true, strides = array<i32>} : memref<2x128x128xf32, #tpu.memory_space<vmem>>, vector<16xf32>,
        %add3A_537 = arith.constant 4 : i32
        %add3A_538 = arith.addi %add3A_418, %add3A_537 : i32
        %swap3A_539 = arith.constant 1 : i32
        %swap3A_540 = arith.index_cast %swap3A_539 : i32 to index
        %swap3A_541 = arith.index_cast %add3A_538 : i32 to index
        %swap3A_542 = arith.constant 16 : index
        %swap3A_543 = tpu.vector_load %arg7[%swap3A_540, %swap3A_541, %swap3A_542] {strides = array<i32>} : memref<2x128x128xf32, #tpu.memory_space<vmem>>, vector<16xf32>,
        tpu.vector_store %arg7[%swap3A_540, %swap3A_541, %swap3A_542], %get3A_330 {add = true, strides = array<i32>} : memref<2x128x128xf32, #tpu.memory_space<vmem>>, vector<16xf32>,
        %add3A_544 = arith.constant 4 : i32
        %add3A_545 = arith.addi %add3A_418, %add3A_544 : i32
        %swap3A_546 = arith.constant 1 : i32
        %swap3A_547 = arith.index_cast %swap3A_546 : i32 to index
        %swap3A_548 = arith.index_cast %add3A_545 : i32 to index
        %swap3A_549 = arith.constant 32 : index
        %swap3A_550 = tpu.vector_load %arg7[%swap3A_547, %swap3A_548, %swap3A_549] {strides = array<i32>} : memref<2x128x128xf32, #tpu.memory_space<vmem>>, vector<16xf32>,
        tpu.vector_store %arg7[%swap3A_547, %swap3A_548, %swap3A_549], %get3A_359 {add = true, strides = array<i32>} : memref<2x128x128xf32, #tpu.memory_space<vmem>>, vector<16xf32>,
        %add3A_551 = arith.constant 4 : i32
        %add3A_552 = arith.addi %add3A_418, %add3A_551 : i32
        %swap3A_553 = arith.constant 1 : i32
        %swap3A_554 = arith.index_cast %swap3A_553 : i32 to index
        %swap3A_555 = arith.index_cast %add3A_552 : i32 to index
        %swap3A_556 = arith.constant 48 : index
        %swap3A_557 = tpu.vector_load %arg7[%swap3A_554, %swap3A_555, %swap3A_556] {strides = array<i32>} : memref<2x128x128xf32, #tpu.memory_space<vmem>>, vector<16xf32>,
        tpu.vector_store %arg7[%swap3A_554, %swap3A_555, %swap3A_556], %get3A_388 {add = true, strides = array<i32>} : memref<2x128x128xf32, #tpu.memory_space<vmem>>, vector<16xf32>,
        %add3A_558 = arith.constant 5 : i32
        %add3A_559 = arith.addi %add3A_418, %add3A_558 : i32
        %swap3A_560 = arith.constant 1 : i32
        %swap3A_561 = arith.index_cast %swap3A_560 : i32 to index
        %swap3A_562 = arith.index_cast %add3A_559 : i32 to index
        %swap3A_563 = arith.constant 0 : index
        %swap3A_564 = tpu.vector_load %arg7[%swap3A_561, %swap3A_562, %swap3A_563] {strides = array<i32>} : memref<2x128x128xf32, #tpu.memory_space<vmem>>, vector<16xf32>,
        tpu.vector_store %arg7[%swap3A_561, %swap3A_562, %swap3A_563], %get3A_301 {add = true, strides = array<i32>} : memref<2x128x128xf32, #tpu.memory_space<vmem>>, vector<16xf32>,
        %add3A_565 = arith.constant 5 : i32
        %add3A_566 = arith.addi %add3A_418, %add3A_565 : i32
        %swap3A_567 = arith.constant 1 : i32
        %swap3A_568 = arith.index_cast %swap3A_567 : i32 to index
        %swap3A_569 = arith.index_cast %add3A_566 : i32 to index
        %swap3A_570 = arith.constant 16 : index
        %swap3A_571 = tpu.vector_load %arg7[%swap3A_568, %swap3A_569, %swap3A_570] {strides = array<i32>} : memref<2x128x128xf32, #tpu.memory_space<vmem>>, vector<16xf32>,
        tpu.vector_store %arg7[%swap3A_568, %swap3A_569, %swap3A_570], %get3A_330 {add = true, strides = array<i32>} : memref<2x128x128xf32, #tpu.memory_space<vmem>>, vector<16xf32>,
        %add3A_572 = arith.constant 5 : i32
        %add3A_573 = arith.addi %add3A_418, %add3A_572 : i32
        %swap3A_574 = arith.constant 1 : i32
        %swap3A_575 = arith.index_cast %swap3A_574 : i32 to index
        %swap3A_576 = arith.index_cast %add3A_573 : i32 to index
        %swap3A_577 = arith.constant 32 : index
        %swap3A_578 = tpu.vector_load %arg7[%swap3A_575, %swap3A_576, %swap3A_577] {strides = array<i32>} : memref<2x128x128xf32, #tpu.memory_space<vmem>>, vector<16xf32>,
        tpu.vector_store %arg7[%swap3A_575, %swap3A_576, %swap3A_577], %get3A_359 {add = true, strides = array<i32>} : memref<2x128x128xf32, #tpu.memory_space<vmem>>, vector<16xf32>,
        %add3A_579 = arith.constant 5 : i32
        %add3A_580 = arith.addi %add3A_418, %add3A_579 : i32
        %swap3A_581 = arith.constant 1 : i32
        %swap3A_582 = arith.index_cast %swap3A_581 : i32 to index
        %swap3A_583 = arith.index_cast %add3A_580 : i32 to index
        %swap3A_584 = arith.constant 48 : index
        %swap3A_585 = tpu.vector_load %arg7[%swap3A_582, %swap3A_583, %swap3A_584] {strides = array<i32>} : memref<2x128x128xf32, #tpu.memory_space<vmem>>, vector<16xf32>,
        tpu.vector_store %arg7[%swap3A_582, %swap3A_583, %swap3A_584], %get3A_388 {add = true, strides = array<i32>} : memref<2x128x128xf32, #tpu.memory_space<vmem>>, vector<16xf32>,
        %add3A_586 = arith.constant 6 : i32
        %add3A_587 = arith.addi %add3A_418, %add3A_586 : i32
        %swap3A_588 = arith.constant 1 : i32
        %swap3A_589 = arith.index_cast %swap3A_588 : i32 to index
        %swap3A_590 = arith.index_cast %add3A_587 : i32 to index
        %swap3A_591 = arith.constant 0 : index
        %swap3A_592 = tpu.vector_load %arg7[%swap3A_589, %swap3A_590, %swap3A_591] {strides = array<i32>} : memref<2x128x128xf32, #tpu.memory_space<vmem>>, vector<16xf32>,
        tpu.vector_store %arg7[%swap3A_589, %swap3A_590, %swap3A_591], %get3A_301 {add = true, strides = array<i32>} : memref<2x128x128xf32, #tpu.memory_space<vmem>>, vector<16xf32>,
        %add3A_593 = arith.constant 6 : i32
        %add3A_594 = arith.addi %add3A_418, %add3A_593 : i32
        %swap3A_595 = arith.constant 1 : i32
        %swap3A_596 = arith.index_cast %swap3A_595 : i32 to index
        %swap3A_597 = arith.index_cast %add3A_594 : i32 to index
        %swap3A_598 = arith.constant 16 : index
        %swap3A_599 = tpu.vector_load %arg7[%swap3A_596, %swap3A_597, %swap3A_598] {strides = array<i32>} : memref<2x128x128xf32, #tpu.memory_space<vmem>>, vector<16xf32>,
        tpu.vector_store %arg7[%swap3A_596, %swap3A_597, %swap3A_598], %get3A_330 {add = true, strides = array<i32>} : memref<2x128x128xf32, #tpu.memory_space<vmem>>, vector<16xf32>,
        %add3A_600 = arith.constant 6 : i32
        %add3A_601 = arith.addi %add3A_418, %add3A_600 : i32
        %swap3A_602 = arith.constant 1 : i32
        %swap3A_603 = arith.index_cast %swap3A_602 : i32 to index
        %swap3A_604 = arith.index_cast %add3A_601 : i32 to index
        %swap3A_605 = arith.constant 32 : index
        %swap3A_606 = tpu.vector_load %arg7[%swap3A_603, %swap3A_604, %swap3A_605] {strides = array<i32>} : memref<2x128x128xf32, #tpu.memory_space<vmem>>, vector<16xf32>,
        tpu.vector_store %arg7[%swap3A_603, %swap3A_604, %swap3A_605], %get3A_359 {add = true, strides = array<i32>} : memref<2x128x128xf32, #tpu.memory_space<vmem>>, vector<16xf32>,
        %add3A_607 = arith.constant 6 : i32
        %add3A_608 = arith.addi %add3A_418, %add3A_607 : i32
        %swap3A_609 = arith.constant 1 : i32
        %swap3A_610 = arith.index_cast %swap3A_609 : i32 to index
        %swap3A_611 = arith.index_cast %add3A_608 : i32 to index
        %swap3A_612 = arith.constant 48 : index
        %swap3A_613 = tpu.vector_load %arg7[%swap3A_610, %swap3A_611, %swap3A_612] {strides = array<i32>} : memref<2x128x128xf32, #tpu.memory_space<vmem>>, vector<16xf32>,
        tpu.vector_store %arg7[%swap3A_610, %swap3A_611, %swap3A_612], %get3A_388 {add = true, strides = array<i32>} : memref<2x128x128xf32, #tpu.memory_space<vmem>>, vector<16xf32>,
        %add3A_614 = arith.constant 7 : i32
        %add3A_615 = arith.addi %add3A_418, %add3A_614 : i32
        %swap3A_616 = arith.constant 1 : i32
        %swap3A_617 = arith.index_cast %swap3A_616 : i32 to index
        %swap3A_618 = arith.index_cast %add3A_615 : i32 to index
        %swap3A_619 = arith.constant 0 : index
        %swap3A_620 = tpu.vector_load %arg7[%swap3A_617, %swap3A_618, %swap3A_619] {strides = array<i32>} : memref<2x128x128xf32, #tpu.memory_space<vmem>>, vector<16xf32>,
        tpu.vector_store %arg7[%swap3A_617, %swap3A_618, %swap3A_619], %get3A_301 {add = true, strides = array<i32>} : memref<2x128x128xf32, #tpu.memory_space<vmem>>, vector<16xf32>,
        %add3A_621 = arith.constant 7 : i32
        %add3A_622 = arith.addi %add3A_418, %add3A_621 : i32
        %swap3A_623 = arith.constant 1 : i32
        %swap3A_624 = arith.index_cast %swap3A_623 : i32 to index
        %swap3A_625 = arith.index_cast %add3A_622 : i32 to index
        %swap3A_626 = arith.constant 16 : index
        %swap3A_627 = tpu.vector_load %arg7[%swap3A_624, %swap3A_625, %swap3A_626] {strides = array<i32>} : memref<2x128x128xf32, #tpu.memory_space<vmem>>, vector<16xf32>,
        tpu.vector_store %arg7[%swap3A_624, %swap3A_625, %swap3A_626], %get3A_330 {add = true, strides = array<i32>} : memref<2x128x128xf32, #tpu.memory_space<vmem>>, vector<16xf32>,
        %add3A_628 = arith.constant 7 : i32
        %add3A_629 = arith.addi %add3A_418, %add3A_628 : i32
        %swap3A_630 = arith.constant 1 : i32
        %swap3A_631 = arith.index_cast %swap3A_630 : i32 to index
        %swap3A_632 = arith.index_cast %add3A_629 : i32 to index
        %swap3A_633 = arith.constant 32 : index
        %swap3A_634 = tpu.vector_load %arg7[%swap3A_631, %swap3A_632, %swap3A_633] {strides = array<i32>} : memref<2x128x128xf32, #tpu.memory_space<vmem>>, vector<16xf32>,
        tpu.vector_store %arg7[%swap3A_631, %swap3A_632, %swap3A_633], %get3A_359 {add = true, strides = array<i32>} : memref<2x128x128xf32, #tpu.memory_space<vmem>>, vector<16xf32>,
        %add3A_635 = arith.constant 7 : i32
        %add3A_636 = arith.addi %add3A_418, %add3A_635 : i32
        %swap3A_637 = arith.constant 1 : i32
        %swap3A_638 = arith.index_cast %swap3A_637 : i32 to index
        %swap3A_639 = arith.index_cast %add3A_636 : i32 to index
        %swap3A_640 = arith.constant 48 : index
        %swap3A_641 = tpu.vector_load %arg7[%swap3A_638, %swap3A_639, %swap3A_640] {strides = array<i32>} : memref<2x128x128xf32, #tpu.memory_space<vmem>>, vector<16xf32>,
        tpu.vector_store %arg7[%swap3A_638, %swap3A_639, %swap3A_640], %get3A_388 {add = true, strides = array<i32>} : memref<2x128x128xf32, #tpu.memory_space<vmem>>, vector<16xf32>,
      }
      %scan3A_393 = arith.constant 16 : i32
      %scan3A_394 = arith.constant 0 : i32
      %scan3A_395 = arith.constant 32 : i32
      %scan3A_396 = arith.addi %scan3A_394, %scan3A_395 : i32
      %scan3A_397 = arith.constant 1 : i32
      scf.for %scan3A_414 = %scan3A_394 to %scan3A_396 step %scan3A_397  : i32 {
        %mul3A_415 = arith.constant 1 : i32
        %mul3A_416 = arith.muli %scan3A_414, %mul3A_415 : i32
        %add3A_417 = arith.constant 0 : i32
        %add3A_418 = arith.addi %add3A_417, %mul3A_416 : i32
        %jit3A_419 = arith.constant 4 : i32
        %div3A_420 = arith.divsi %add3A_418, %jit3A_419 : i32
        %sign3A_421 = arith.constant 0 : i32
        %sign3A_422 = arith.cmpi sgt, %add3A_418, %sign3A_421 : i32
        %sign3A_423 = arith.extui %sign3A_422 : i1 to i32
        %sign3A_424 = arith.constant 0 : i32
        %sign3A_425 = arith.cmpi slt, %add3A_418, %sign3A_424 : i32
        %sign3A_426 = arith.extui %sign3A_425 : i1 to i32
        %sign3A_427 = arith.subi %sign3A_423, %sign3A_426 : i32
        %sign3A_428 = arith.constant 0 : i32
        %sign3A_429 = arith.cmpi sgt, %jit3A_419, %sign3A_428 : i32
        %sign3A_430 = arith.extui %sign3A_429 : i1 to i32
        %sign3A_431 = arith.constant 0 : i32
        %sign3A_432 = arith.cmpi slt, %jit3A_419, %sign3A_431 : i32
        %sign3A_433 = arith.extui %sign3A_432 : i1 to i32
        %sign3A_434 = arith.subi %sign3A_430, %sign3A_433 : i32
        %ne3A_435 = arith.cmpi ne, %sign3A_427, %sign3A_434 : i32
        %rem3A_436 = arith.remsi %add3A_418, %jit3A_419 : i32
        %ne3A_437 = arith.constant 0 : i32
        %ne3A_438 = arith.cmpi ne, %rem3A_436, %ne3A_437 : i32
        %and3A_439 = arith.andi %ne3A_435, %ne3A_438 : i1
        %sub3A_440 = arith.constant 1 : i32
        %sub3A_441 = arith.subi %div3A_420, %sub3A_440 : i32
        %select_n3A_442 = arith.select %and3A_439, %sub3A_441, %div3A_420 : i32
        %jit3A_443 = arith.constant 4 : i32
        %eq3A_444 = arith.constant 0 : i32
        %eq3A_445 = arith.cmpi eq, %jit3A_443, %eq3A_444 : i32
        %jit3A_446 = arith.constant 1 : i32
        %select_n3A_447 = arith.select %eq3A_445, %jit3A_446, %jit3A_443 : i32
        %rem3A_448 = arith.remsi %add3A_418, %select_n3A_447 : i32
        %ne3A_449 = arith.constant 0 : i32
        %ne3A_450 = arith.cmpi ne, %rem3A_448, %ne3A_449 : i32
        %lt3A_451 = arith.constant 0 : i32
        %lt3A_452 = arith.cmpi slt, %rem3A_448, %lt3A_451 : i32
        %lt3A_453 = arith.constant 0 : i32
        %lt3A_454 = arith.cmpi slt, %select_n3A_447, %lt3A_453 : i32
        %ne3A_455 = arith.xori %lt3A_452, %lt3A_454 : i1
        %and3A_456 = arith.andi %ne3A_455, %ne3A_450 : i1
        %add3A_457 = arith.addi %rem3A_448, %select_n3A_447 : i32
        %select_n3A_458 = arith.select %and3A_456, %add3A_457, %rem3A_448 : i32
        %mul3A_459 = arith.constant 16 : i32
        %mul3A_460 = arith.muli %select_n3A_442, %mul3A_459 : i32
        %broadcast_in_dim3A = vector.broadcast %mul3A_460 : i32 to vector<16xi32>
        %add3A_461 = arith.addi %broadcast_in_dim3A, %iota3A : vector<16xi32>
        %mul3A_462 = arith.constant 16 : i32
        %mul3A_463 = arith.muli %select_n3A_458, %mul3A_462 : i32
        %broadcast_in_dim3A_464 = vector.broadcast %mul3A_463 : i32 to vector<16xi32>
        %add3A_465 = arith.constant 0 : i32
        %add3A_466 = vector.broadcast %add3A_465 : i32 to vector<16xi32>
        %add3A_467 = arith.addi %iota3A, %add3A_466 : vector<16xi32>
        %and3A_468 = arith.constant 15 : i32
        %and3A_469 = vector.broadcast %and3A_468 : i32 to vector<16xi32>
        %and3A_470 = arith.andi %add3A_467, %and3A_469 : vector<16xi32>
        %add3A_471 = arith.addi %broadcast_in_dim3A_464, %and3A_470 : vector<16xi32>
        %gather3A = arith.constant 1 : i32
        %gather3A_472 = arith.constant 0 : i32
        %gather3A_473 = arith.constant 0 : i32
        %gather3A_474 = tpu.memref_slice %arg7[%gather3A, %gather3A_472, %gather3A_473] : memref<2x128x128xf32, #tpu.memory_space<vmem>> -> memref<1x128x128xf32, #tpu.memory_space<vmem>>
        %gather3A_475 = tpu.memref_squeeze %gather3A_474 : memref<1x128x128xf32, #tpu.memory_space<vmem>> -> memref<128x128xf32, #tpu.memory_space<vmem>>
        %gather3A_476 = tpu.vector_load_idx %gather3A_475[%add3A_461, %add3A_471] : memref<128x128xf32, #tpu.memory_space<vmem>>[vector<16xi32>, vector<16xi32>], vector<16xf32>,
        %add3A_477 = arith.constant 1 : i32
        %add3A_478 = vector.broadcast %add3A_477 : i32 to vector<16xi32>
        %add3A_479 = arith.addi %iota3A, %add3A_478 : vector<16xi32>
        %and3A_480 = arith.constant 15 : i32
        %and3A_481 = vector.broadcast %and3A_480 : i32 to vector<16xi32>
        %and3A_482 = arith.andi %add3A_479, %and3A_481 : vector<16xi32>
        %add3A_483 = arith.addi %broadcast_in_dim3A_464, %and3A_482 : vector<16xi32>
        %gather3A_484 = arith.constant 1 : i32
        %gather3A_485 = arith.constant 0 : i32
        %gather3A_486 = arith.constant 0 : i32
        %gather3A_487 = tpu.memref_slice %arg7[%gather3A_484, %gather3A_485, %gather3A_486] : memref<2x128x128xf32, #tpu.memory_space<vmem>> -> memref<1x128x128xf32, #tpu.memory_space<vmem>>
        %gather3A_488 = tpu.memref_squeeze %gather3A_487 : memref<1x128x128xf32, #tpu.memory_space<vmem>> -> memref<128x128xf32, #tpu.memory_space<vmem>>
        %gather3A_489 = tpu.vector_load_idx %gather3A_488[%add3A_461, %add3A_483] : memref<128x128xf32, #tpu.memory_space<vmem>>[vector<16xi32>, vector<16xi32>], vector<16xf32>,
        %add3A_490 = arith.constant 2 : i32
        %add3A_491 = vector.broadcast %add3A_490 : i32 to vector<16xi32>
        %add3A_492 = arith.addi %iota3A, %add3A_491 : vector<16xi32>
        %and3A_493 = arith.constant 15 : i32
        %and3A_494 = vector.broadcast %and3A_493 : i32 to vector<16xi32>
        %and3A_495 = arith.andi %add3A_492, %and3A_494 : vector<16xi32>
        %add3A_496 = arith.addi %broadcast_in_dim3A_464, %and3A_495 : vector<16xi32>
        %gather3A_497 = arith.constant 1 : i32
        %gather3A_498 = arith.constant 0 : i32
        %gather3A_499 = arith.constant 0 : i32
        %gather3A_500 = tpu.memref_slice %arg7[%gather3A_497, %gather3A_498, %gather3A_499] : memref<2x128x128xf32, #tpu.memory_space<vmem>> -> memref<1x128x128xf32, #tpu.memory_space<vmem>>
        %gather3A_501 = tpu.memref_squeeze %gather3A_500 : memref<1x128x128xf32, #tpu.memory_space<vmem>> -> memref<128x128xf32, #tpu.memory_space<vmem>>
        %gather3A_502 = tpu.vector_load_idx %gather3A_501[%add3A_461, %add3A_496] : memref<128x128xf32, #tpu.memory_space<vmem>>[vector<16xi32>, vector<16xi32>], vector<16xf32>,
        %add3A_503 = arith.constant 3 : i32
        %add3A_504 = vector.broadcast %add3A_503 : i32 to vector<16xi32>
        %add3A_505 = arith.addi %iota3A, %add3A_504 : vector<16xi32>
        %and3A_506 = arith.constant 15 : i32
        %and3A_507 = vector.broadcast %and3A_506 : i32 to vector<16xi32>
        %and3A_508 = arith.andi %add3A_505, %and3A_507 : vector<16xi32>
        %add3A_509 = arith.addi %broadcast_in_dim3A_464, %and3A_508 : vector<16xi32>
        %gather3A_510 = arith.constant 1 : i32
        %gather3A_511 = arith.constant 0 : i32
        %gather3A_512 = arith.constant 0 : i32
        %gather3A_513 = tpu.memref_slice %arg7[%gather3A_510, %gather3A_511, %gather3A_512] : memref<2x128x128xf32, #tpu.memory_space<vmem>> -> memref<1x128x128xf32, #tpu.memory_space<vmem>>
        %gather3A_514 = tpu.memref_squeeze %gather3A_513 : memref<1x128x128xf32, #tpu.memory_space<vmem>> -> memref<128x128xf32, #tpu.memory_space<vmem>>
        %gather3A_515 = tpu.vector_load_idx %gather3A_514[%add3A_461, %add3A_509] : memref<128x128xf32, #tpu.memory_space<vmem>>[vector<16xi32>, vector<16xi32>], vector<16xf32>,
        %scatter3A = arith.constant 1 : i32
        %scatter3A_516 = arith.constant 0 : i32
        %scatter3A_517 = arith.constant 0 : i32
        %scatter3A_518 = tpu.memref_slice %arg8[%scatter3A, %scatter3A_516, %scatter3A_517] : memref<2x64x128xf32, #tpu.memory_space<vmem>> -> memref<1x64x128xf32, #tpu.memory_space<vmem>>
        %scatter3A_519 = tpu.memref_squeeze %scatter3A_518 : memref<1x64x128xf32, #tpu.memory_space<vmem>> -> memref<64x128xf32, #tpu.memory_space<vmem>>
        tpu.vector_store_idx %scatter3A_519[%add3A_471, %add3A_461], %gather3A_476 : memref<64x128xf32, #tpu.memory_space<vmem>>[vector<16xi32>, vector<16xi32>], vector<16xf32>,
        %scatter3A_520 = arith.constant 1 : i32
        %scatter3A_521 = arith.constant 0 : i32
        %scatter3A_522 = arith.constant 0 : i32
        %scatter3A_523 = tpu.memref_slice %arg8[%scatter3A_520, %scatter3A_521, %scatter3A_522] : memref<2x64x128xf32, #tpu.memory_space<vmem>> -> memref<1x64x128xf32, #tpu.memory_space<vmem>>
        %scatter3A_524 = tpu.memref_squeeze %scatter3A_523 : memref<1x64x128xf32, #tpu.memory_space<vmem>> -> memref<64x128xf32, #tpu.memory_space<vmem>>
        tpu.vector_store_idx %scatter3A_524[%add3A_483, %add3A_461], %gather3A_489 : memref<64x128xf32, #tpu.memory_space<vmem>>[vector<16xi32>, vector<16xi32>], vector<16xf32>,
        %scatter3A_525 = arith.constant 1 : i32
        %scatter3A_526 = arith.constant 0 : i32
        %scatter3A_527 = arith.constant 0 : i32
        %scatter3A_528 = tpu.memref_slice %arg8[%scatter3A_525, %scatter3A_526, %scatter3A_527] : memref<2x64x128xf32, #tpu.memory_space<vmem>> -> memref<1x64x128xf32, #tpu.memory_space<vmem>>
        %scatter3A_529 = tpu.memref_squeeze %scatter3A_528 : memref<1x64x128xf32, #tpu.memory_space<vmem>> -> memref<64x128xf32, #tpu.memory_space<vmem>>
        tpu.vector_store_idx %scatter3A_529[%add3A_496, %add3A_461], %gather3A_502 : memref<64x128xf32, #tpu.memory_space<vmem>>[vector<16xi32>, vector<16xi32>], vector<16xf32>,
        %scatter3A_530 = arith.constant 1 : i32
        %scatter3A_531 = arith.constant 0 : i32
        %scatter3A_532 = arith.constant 0 : i32
        %scatter3A_533 = tpu.memref_slice %arg8[%scatter3A_530, %scatter3A_531, %scatter3A_532] : memref<2x64x128xf32, #tpu.memory_space<vmem>> -> memref<1x64x128xf32, #tpu.memory_space<vmem>>
        %scatter3A_534 = tpu.memref_squeeze %scatter3A_533 : memref<1x64x128xf32, #tpu.memory_space<vmem>> -> memref<64x128xf32, #tpu.memory_space<vmem>>
        tpu.vector_store_idx %scatter3A_534[%add3A_509, %add3A_461], %gather3A_515 : memref<64x128xf32, #tpu.memory_space<vmem>>[vector<16xi32>, vector<16xi32>], vector<16xf32>,
        %add3A_535 = arith.constant 4 : i32
        %add3A_536 = vector.broadcast %add3A_535 : i32 to vector<16xi32>
        %add3A_537 = arith.addi %iota3A, %add3A_536 : vector<16xi32>
        %and3A_538 = arith.constant 15 : i32
        %and3A_539 = vector.broadcast %and3A_538 : i32 to vector<16xi32>
        %and3A_540 = arith.andi %add3A_537, %and3A_539 : vector<16xi32>
        %add3A_541 = arith.addi %broadcast_in_dim3A_464, %and3A_540 : vector<16xi32>
        %gather3A_542 = arith.constant 1 : i32
        %gather3A_543 = arith.constant 0 : i32
        %gather3A_544 = arith.constant 0 : i32
        %gather3A_545 = tpu.memref_slice %arg7[%gather3A_542, %gather3A_543, %gather3A_544] : memref<2x128x128xf32, #tpu.memory_space<vmem>> -> memref<1x128x128xf32, #tpu.memory_space<vmem>>
        %gather3A_546 = tpu.memref_squeeze %gather3A_545 : memref<1x128x128xf32, #tpu.memory_space<vmem>> -> memref<128x128xf32, #tpu.memory_space<vmem>>
        %gather3A_547 = tpu.vector_load_idx %gather3A_546[%add3A_461, %add3A_541] : memref<128x128xf32, #tpu.memory_space<vmem>>[vector<16xi32>, vector<16xi32>], vector<16xf32>,
        %add3A_548 = arith.constant 5 : i32
        %add3A_549 = vector.broadcast %add3A_548 : i32 to vector<16xi32>
        %add3A_550 = arith.addi %iota3A, %add3A_549 : vector<16xi32>
        %and3A_551 = arith.constant 15 : i32
        %and3A_552 = vector.broadcast %and3A_551 : i32 to vector<16xi32>
        %and3A_553 = arith.andi %add3A_550, %and3A_552 : vector<16xi32>
        %add3A_554 = arith.addi %broadcast_in_dim3A_464, %and3A_553 : vector<16xi32>
        %gather3A_555 = arith.constant 1 : i32
        %gather3A_556 = arith.constant 0 : i32
        %gather3A_557 = arith.constant 0 : i32
        %gather3A_558 = tpu.memref_slice %arg7[%gather3A_555, %gather3A_556, %gather3A_557] : memref<2x128x128xf32, #tpu.memory_space<vmem>> -> memref<1x128x128xf32, #tpu.memory_space<vmem>>
        %gather3A_559 = tpu.memref_squeeze %gather3A_558 : memref<1x128x128xf32, #tpu.memory_space<vmem>> -> memref<128x128xf32, #tpu.memory_space<vmem>>
        %gather3A_560 = tpu.vector_load_idx %gather3A_559[%add3A_461, %add3A_554] : memref<128x128xf32, #tpu.memory_space<vmem>>[vector<16xi32>, vector<16xi32>], vector<16xf32>,
        %add3A_561 = arith.constant 6 : i32
        %add3A_562 = vector.broadcast %add3A_561 : i32 to vector<16xi32>
        %add3A_563 = arith.addi %iota3A, %add3A_562 : vector<16xi32>
        %and3A_564 = arith.constant 15 : i32
        %and3A_565 = vector.broadcast %and3A_564 : i32 to vector<16xi32>
        %and3A_566 = arith.andi %add3A_563, %and3A_565 : vector<16xi32>
        %add3A_567 = arith.addi %broadcast_in_dim3A_464, %and3A_566 : vector<16xi32>
        %gather3A_568 = arith.constant 1 : i32
        %gather3A_569 = arith.constant 0 : i32
        %gather3A_570 = arith.constant 0 : i32
        %gather3A_571 = tpu.memref_slice %arg7[%gather3A_568, %gather3A_569, %gather3A_570] : memref<2x128x128xf32, #tpu.memory_space<vmem>> -> memref<1x128x128xf32, #tpu.memory_space<vmem>>
        %gather3A_572 = tpu.memref_squeeze %gather3A_571 : memref<1x128x128xf32, #tpu.memory_space<vmem>> -> memref<128x128xf32, #tpu.memory_space<vmem>>
        %gather3A_573 = tpu.vector_load_idx %gather3A_572[%add3A_461, %add3A_567] : memref<128x128xf32, #tpu.memory_space<vmem>>[vector<16xi32>, vector<16xi32>], vector<16xf32>,
        %add3A_574 = arith.constant 7 : i32
        %add3A_575 = vector.broadcast %add3A_574 : i32 to vector<16xi32>
        %add3A_576 = arith.addi %iota3A, %add3A_575 : vector<16xi32>
        %and3A_577 = arith.constant 15 : i32
        %and3A_578 = vector.broadcast %and3A_577 : i32 to vector<16xi32>
        %and3A_579 = arith.andi %add3A_576, %and3A_578 : vector<16xi32>
        %add3A_580 = arith.addi %broadcast_in_dim3A_464, %and3A_579 : vector<16xi32>
        %gather3A_581 = arith.constant 1 : i32
        %gather3A_582 = arith.constant 0 : i32
        %gather3A_583 = arith.constant 0 : i32
        %gather3A_584 = tpu.memref_slice %arg7[%gather3A_581, %gather3A_582, %gather3A_583] : memref<2x128x128xf32, #tpu.memory_space<vmem>> -> memref<1x128x128xf32, #tpu.memory_space<vmem>>
        %gather3A_585 = tpu.memref_squeeze %gather3A_584 : memref<1x128x128xf32, #tpu.memory_space<vmem>> -> memref<128x128xf32, #tpu.memory_space<vmem>>
        %gather3A_586 = tpu.vector_load_idx %gather3A_585[%add3A_461, %add3A_580] : memref<128x128xf32, #tpu.memory_space<vmem>>[vector<16xi32>, vector<16xi32>], vector<16xf32>,
        %scatter3A_587 = arith.constant 1 : i32
        %scatter3A_588 = arith.constant 0 : i32
        %scatter3A_589 = arith.constant 0 : i32
        %scatter3A_590 = tpu.memref_slice %arg8[%scatter3A_587, %scatter3A_588, %scatter3A_589] : memref<2x64x128xf32, #tpu.memory_space<vmem>> -> memref<1x64x128xf32, #tpu.memory_space<vmem>>
        %scatter3A_591 = tpu.memref_squeeze %scatter3A_590 : memref<1x64x128xf32, #tpu.memory_space<vmem>> -> memref<64x128xf32, #tpu.memory_space<vmem>>
        tpu.vector_store_idx %scatter3A_591[%add3A_541, %add3A_461], %gather3A_547 : memref<64x128xf32, #tpu.memory_space<vmem>>[vector<16xi32>, vector<16xi32>], vector<16xf32>,
        %scatter3A_592 = arith.constant 1 : i32
        %scatter3A_593 = arith.constant 0 : i32
        %scatter3A_594 = arith.constant 0 : i32
        %scatter3A_595 = tpu.memref_slice %arg8[%scatter3A_592, %scatter3A_593, %scatter3A_594] : memref<2x64x128xf32, #tpu.memory_space<vmem>> -> memref<1x64x128xf32, #tpu.memory_space<vmem>>
        %scatter3A_596 = tpu.memref_squeeze %scatter3A_595 : memref<1x64x128xf32, #tpu.memory_space<vmem>> -> memref<64x128xf32, #tpu.memory_space<vmem>>
        tpu.vector_store_idx %scatter3A_596[%add3A_554, %add3A_461], %gather3A_560 : memref<64x128xf32, #tpu.memory_space<vmem>>[vector<16xi32>, vector<16xi32>], vector<16xf32>,
        %scatter3A_597 = arith.constant 1 : i32
        %scatter3A_598 = arith.constant 0 : i32
        %scatter3A_599 = arith.constant 0 : i32
        %scatter3A_600 = tpu.memref_slice %arg8[%scatter3A_597, %scatter3A_598, %scatter3A_599] : memref<2x64x128xf32, #tpu.memory_space<vmem>> -> memref<1x64x128xf32, #tpu.memory_space<vmem>>
        %scatter3A_601 = tpu.memref_squeeze %scatter3A_600 : memref<1x64x128xf32, #tpu.memory_space<vmem>> -> memref<64x128xf32, #tpu.memory_space<vmem>>
        tpu.vector_store_idx %scatter3A_601[%add3A_567, %add3A_461], %gather3A_573 : memref<64x128xf32, #tpu.memory_space<vmem>>[vector<16xi32>, vector<16xi32>], vector<16xf32>,
        %scatter3A_602 = arith.constant 1 : i32
        %scatter3A_603 = arith.constant 0 : i32
        %scatter3A_604 = arith.constant 0 : i32
        %scatter3A_605 = tpu.memref_slice %arg8[%scatter3A_602, %scatter3A_603, %scatter3A_604] : memref<2x64x128xf32, #tpu.memory_space<vmem>> -> memref<1x64x128xf32, #tpu.memory_space<vmem>>
        %scatter3A_606 = tpu.memref_squeeze %scatter3A_605 : memref<1x64x128xf32, #tpu.memory_space<vmem>> -> memref<64x128xf32, #tpu.memory_space<vmem>>
        tpu.vector_store_idx %scatter3A_606[%add3A_580, %add3A_461], %gather3A_586 : memref<64x128xf32, #tpu.memory_space<vmem>>[vector<16xi32>, vector<16xi32>], vector<16xf32>,
        %add3A_607 = arith.constant 8 : i32
        %add3A_608 = vector.broadcast %add3A_607 : i32 to vector<16xi32>
        %add3A_609 = arith.addi %iota3A, %add3A_608 : vector<16xi32>
        %and3A_610 = arith.constant 15 : i32
        %and3A_611 = vector.broadcast %and3A_610 : i32 to vector<16xi32>
        %and3A_612 = arith.andi %add3A_609, %and3A_611 : vector<16xi32>
        %add3A_613 = arith.addi %broadcast_in_dim3A_464, %and3A_612 : vector<16xi32>
        %gather3A_614 = arith.constant 1 : i32
        %gather3A_615 = arith.constant 0 : i32
        %gather3A_616 = arith.constant 0 : i32
        %gather3A_617 = tpu.memref_slice %arg7[%gather3A_614, %gather3A_615, %gather3A_616] : memref<2x128x128xf32, #tpu.memory_space<vmem>> -> memref<1x128x128xf32, #tpu.memory_space<vmem>>
        %gather3A_618 = tpu.memref_squeeze %gather3A_617 : memref<1x128x128xf32, #tpu.memory_space<vmem>> -> memref<128x128xf32, #tpu.memory_space<vmem>>
        %gather3A_619 = tpu.vector_load_idx %gather3A_618[%add3A_461, %add3A_613] : memref<128x128xf32, #tpu.memory_space<vmem>>[vector<16xi32>, vector<16xi32>], vector<16xf32>,
        %add3A_620 = arith.constant 9 : i32
        %add3A_621 = vector.broadcast %add3A_620 : i32 to vector<16xi32>
        %add3A_622 = arith.addi %iota3A, %add3A_621 : vector<16xi32>
        %and3A_623 = arith.constant 15 : i32
        %and3A_624 = vector.broadcast %and3A_623 : i32 to vector<16xi32>
        %and3A_625 = arith.andi %add3A_622, %and3A_624 : vector<16xi32>
        %add3A_626 = arith.addi %broadcast_in_dim3A_464, %and3A_625 : vector<16xi32>
        %gather3A_627 = arith.constant 1 : i32
        %gather3A_628 = arith.constant 0 : i32
        %gather3A_629 = arith.constant 0 : i32
        %gather3A_630 = tpu.memref_slice %arg7[%gather3A_627, %gather3A_628, %gather3A_629] : memref<2x128x128xf32, #tpu.memory_space<vmem>> -> memref<1x128x128xf32, #tpu.memory_space<vmem>>
        %gather3A_631 = tpu.memref_squeeze %gather3A_630 : memref<1x128x128xf32, #tpu.memory_space<vmem>> -> memref<128x128xf32, #tpu.memory_space<vmem>>
        %gather3A_632 = tpu.vector_load_idx %gather3A_631[%add3A_461, %add3A_626] : memref<128x128xf32, #tpu.memory_space<vmem>>[vector<16xi32>, vector<16xi32>], vector<16xf32>,
        %add3A_633 = arith.constant 10 : i32
        %add3A_634 = vector.broadcast %add3A_633 : i32 to vector<16xi32>
        %add3A_635 = arith.addi %iota3A, %add3A_634 : vector<16xi32>
        %and3A_636 = arith.constant 15 : i32
        %and3A_637 = vector.broadcast %and3A_636 : i32 to vector<16xi32>
        %and3A_638 = arith.andi %add3A_635, %and3A_637 : vector<16xi32>
        %add3A_639 = arith.addi %broadcast_in_dim3A_464, %and3A_638 : vector<16xi32>
        %gather3A_640 = arith.constant 1 : i32
        %gather3A_641 = arith.constant 0 : i32
        %gather3A_642 = arith.constant 0 : i32
        %gather3A_643 = tpu.memref_slice %arg7[%gather3A_640, %gather3A_641, %gather3A_642] : memref<2x128x128xf32, #tpu.memory_space<vmem>> -> memref<1x128x128xf32, #tpu.memory_space<vmem>>
        %gather3A_644 = tpu.memref_squeeze %gather3A_643 : memref<1x128x128xf32, #tpu.memory_space<vmem>> -> memref<128x128xf32, #tpu.memory_space<vmem>>
        %gather3A_645 = tpu.vector_load_idx %gather3A_644[%add3A_461, %add3A_639] : memref<128x128xf32, #tpu.memory_space<vmem>>[vector<16xi32>, vector<16xi32>], vector<16xf32>,
        %add3A_646 = arith.constant 11 : i32
        %add3A_647 = vector.broadcast %add3A_646 : i32 to vector<16xi32>
        %add3A_648 = arith.addi %iota3A, %add3A_647 : vector<16xi32>
        %and3A_649 = arith.constant 15 : i32
        %and3A_650 = vector.broadcast %and3A_649 : i32 to vector<16xi32>
        %and3A_651 = arith.andi %add3A_648, %and3A_650 : vector<16xi32>
        %add3A_652 = arith.addi %broadcast_in_dim3A_464, %and3A_651 : vector<16xi32>
        %gather3A_653 = arith.constant 1 : i32
        %gather3A_654 = arith.constant 0 : i32
        %gather3A_655 = arith.constant 0 : i32
        %gather3A_656 = tpu.memref_slice %arg7[%gather3A_653, %gather3A_654, %gather3A_655] : memref<2x128x128xf32, #tpu.memory_space<vmem>> -> memref<1x128x128xf32, #tpu.memory_space<vmem>>
        %gather3A_657 = tpu.memref_squeeze %gather3A_656 : memref<1x128x128xf32, #tpu.memory_space<vmem>> -> memref<128x128xf32, #tpu.memory_space<vmem>>
        %gather3A_658 = tpu.vector_load_idx %gather3A_657[%add3A_461, %add3A_652] : memref<128x128xf32, #tpu.memory_space<vmem>>[vector<16xi32>, vector<16xi32>], vector<16xf32>,
        %scatter3A_659 = arith.constant 1 : i32
        %scatter3A_660 = arith.constant 0 : i32
        %scatter3A_661 = arith.constant 0 : i32
        %scatter3A_662 = tpu.memref_slice %arg8[%scatter3A_659, %scatter3A_660, %scatter3A_661] : memref<2x64x128xf32, #tpu.memory_space<vmem>> -> memref<1x64x128xf32, #tpu.memory_space<vmem>>
        %scatter3A_663 = tpu.memref_squeeze %scatter3A_662 : memref<1x64x128xf32, #tpu.memory_space<vmem>> -> memref<64x128xf32, #tpu.memory_space<vmem>>
        tpu.vector_store_idx %scatter3A_663[%add3A_613, %add3A_461], %gather3A_619 : memref<64x128xf32, #tpu.memory_space<vmem>>[vector<16xi32>, vector<16xi32>], vector<16xf32>,
        %scatter3A_664 = arith.constant 1 : i32
        %scatter3A_665 = arith.constant 0 : i32
        %scatter3A_666 = arith.constant 0 : i32
        %scatter3A_667 = tpu.memref_slice %arg8[%scatter3A_664, %scatter3A_665, %scatter3A_666] : memref<2x64x128xf32, #tpu.memory_space<vmem>> -> memref<1x64x128xf32, #tpu.memory_space<vmem>>
        %scatter3A_668 = tpu.memref_squeeze %scatter3A_667 : memref<1x64x128xf32, #tpu.memory_space<vmem>> -> memref<64x128xf32, #tpu.memory_space<vmem>>
        tpu.vector_store_idx %scatter3A_668[%add3A_626, %add3A_461], %gather3A_632 : memref<64x128xf32, #tpu.memory_space<vmem>>[vector<16xi32>, vector<16xi32>], vector<16xf32>,
        %scatter3A_669 = arith.constant 1 : i32
        %scatter3A_670 = arith.constant 0 : i32
        %scatter3A_671 = arith.constant 0 : i32
        %scatter3A_672 = tpu.memref_slice %arg8[%scatter3A_669, %scatter3A_670, %scatter3A_671] : memref<2x64x128xf32, #tpu.memory_space<vmem>> -> memref<1x64x128xf32, #tpu.memory_space<vmem>>
        %scatter3A_673 = tpu.memref_squeeze %scatter3A_672 : memref<1x64x128xf32, #tpu.memory_space<vmem>> -> memref<64x128xf32, #tpu.memory_space<vmem>>
        tpu.vector_store_idx %scatter3A_673[%add3A_639, %add3A_461], %gather3A_645 : memref<64x128xf32, #tpu.memory_space<vmem>>[vector<16xi32>, vector<16xi32>], vector<16xf32>,
        %scatter3A_674 = arith.constant 1 : i32
        %scatter3A_675 = arith.constant 0 : i32
        %scatter3A_676 = arith.constant 0 : i32
        %scatter3A_677 = tpu.memref_slice %arg8[%scatter3A_674, %scatter3A_675, %scatter3A_676] : memref<2x64x128xf32, #tpu.memory_space<vmem>> -> memref<1x64x128xf32, #tpu.memory_space<vmem>>
        %scatter3A_678 = tpu.memref_squeeze %scatter3A_677 : memref<1x64x128xf32, #tpu.memory_space<vmem>> -> memref<64x128xf32, #tpu.memory_space<vmem>>
        tpu.vector_store_idx %scatter3A_678[%add3A_652, %add3A_461], %gather3A_658 : memref<64x128xf32, #tpu.memory_space<vmem>>[vector<16xi32>, vector<16xi32>], vector<16xf32>,
        %add3A_679 = arith.constant 12 : i32
        %add3A_680 = vector.broadcast %add3A_679 : i32 to vector<16xi32>
        %add3A_681 = arith.addi %iota3A, %add3A_680 : vector<16xi32>
        %and3A_682 = arith.constant 15 : i32
        %and3A_683 = vector.broadcast %and3A_682 : i32 to vector<16xi32>
        %and3A_684 = arith.andi %add3A_681, %and3A_683 : vector<16xi32>
        %add3A_685 = arith.addi %broadcast_in_dim3A_464, %and3A_684 : vector<16xi32>
        %gather3A_686 = arith.constant 1 : i32
        %gather3A_687 = arith.constant 0 : i32
        %gather3A_688 = arith.constant 0 : i32
        %gather3A_689 = tpu.memref_slice %arg7[%gather3A_686, %gather3A_687, %gather3A_688] : memref<2x128x128xf32, #tpu.memory_space<vmem>> -> memref<1x128x128xf32, #tpu.memory_space<vmem>>
        %gather3A_690 = tpu.memref_squeeze %gather3A_689 : memref<1x128x128xf32, #tpu.memory_space<vmem>> -> memref<128x128xf32, #tpu.memory_space<vmem>>
        %gather3A_691 = tpu.vector_load_idx %gather3A_690[%add3A_461, %add3A_685] : memref<128x128xf32, #tpu.memory_space<vmem>>[vector<16xi32>, vector<16xi32>], vector<16xf32>,
        %add3A_692 = arith.constant 13 : i32
        %add3A_693 = vector.broadcast %add3A_692 : i32 to vector<16xi32>
        %add3A_694 = arith.addi %iota3A, %add3A_693 : vector<16xi32>
        %and3A_695 = arith.constant 15 : i32
        %and3A_696 = vector.broadcast %and3A_695 : i32 to vector<16xi32>
        %and3A_697 = arith.andi %add3A_694, %and3A_696 : vector<16xi32>
        %add3A_698 = arith.addi %broadcast_in_dim3A_464, %and3A_697 : vector<16xi32>
        %gather3A_699 = arith.constant 1 : i32
        %gather3A_700 = arith.constant 0 : i32
        %gather3A_701 = arith.constant 0 : i32
        %gather3A_702 = tpu.memref_slice %arg7[%gather3A_699, %gather3A_700, %gather3A_701] : memref<2x128x128xf32, #tpu.memory_space<vmem>> -> memref<1x128x128xf32, #tpu.memory_space<vmem>>
        %gather3A_703 = tpu.memref_squeeze %gather3A_702 : memref<1x128x128xf32, #tpu.memory_space<vmem>> -> memref<128x128xf32, #tpu.memory_space<vmem>>
        %gather3A_704 = tpu.vector_load_idx %gather3A_703[%add3A_461, %add3A_698] : memref<128x128xf32, #tpu.memory_space<vmem>>[vector<16xi32>, vector<16xi32>], vector<16xf32>,
        %add3A_705 = arith.constant 14 : i32
        %add3A_706 = vector.broadcast %add3A_705 : i32 to vector<16xi32>
        %add3A_707 = arith.addi %iota3A, %add3A_706 : vector<16xi32>
        %and3A_708 = arith.constant 15 : i32
        %and3A_709 = vector.broadcast %and3A_708 : i32 to vector<16xi32>
        %and3A_710 = arith.andi %add3A_707, %and3A_709 : vector<16xi32>
        %add3A_711 = arith.addi %broadcast_in_dim3A_464, %and3A_710 : vector<16xi32>
        %gather3A_712 = arith.constant 1 : i32
        %gather3A_713 = arith.constant 0 : i32
        %gather3A_714 = arith.constant 0 : i32
        %gather3A_715 = tpu.memref_slice %arg7[%gather3A_712, %gather3A_713, %gather3A_714] : memref<2x128x128xf32, #tpu.memory_space<vmem>> -> memref<1x128x128xf32, #tpu.memory_space<vmem>>
        %gather3A_716 = tpu.memref_squeeze %gather3A_715 : memref<1x128x128xf32, #tpu.memory_space<vmem>> -> memref<128x128xf32, #tpu.memory_space<vmem>>
        %gather3A_717 = tpu.vector_load_idx %gather3A_716[%add3A_461, %add3A_711] : memref<128x128xf32, #tpu.memory_space<vmem>>[vector<16xi32>, vector<16xi32>], vector<16xf32>,
        %add3A_718 = arith.constant 15 : i32
        %add3A_719 = vector.broadcast %add3A_718 : i32 to vector<16xi32>
        %add3A_720 = arith.addi %iota3A, %add3A_719 : vector<16xi32>
        %and3A_721 = arith.constant 15 : i32
        %and3A_722 = vector.broadcast %and3A_721 : i32 to vector<16xi32>
        %and3A_723 = arith.andi %add3A_720, %and3A_722 : vector<16xi32>
        %add3A_724 = arith.addi %broadcast_in_dim3A_464, %and3A_723 : vector<16xi32>
        %gather3A_725 = arith.constant 1 : i32
        %gather3A_726 = arith.constant 0 : i32
        %gather3A_727 = arith.constant 0 : i32
        %gather3A_728 = tpu.memref_slice %arg7[%gather3A_725, %gather3A_726, %gather3A_727] : memref<2x128x128xf32, #tpu.memory_space<vmem>> -> memref<1x128x128xf32, #tpu.memory_space<vmem>>
        %gather3A_729 = tpu.memref_squeeze %gather3A_728 : memref<1x128x128xf32, #tpu.memory_space<vmem>> -> memref<128x128xf32, #tpu.memory_space<vmem>>
        %gather3A_730 = tpu.vector_load_idx %gather3A_729[%add3A_461, %add3A_724] : memref<128x128xf32, #tpu.memory_space<vmem>>[vector<16xi32>, vector<16xi32>], vector<16xf32>,
        %scatter3A_731 = arith.constant 1 : i32
        %scatter3A_732 = arith.constant 0 : i32
        %scatter3A_733 = arith.constant 0 : i32
        %scatter3A_734 = tpu.memref_slice %arg8[%scatter3A_731, %scatter3A_732, %scatter3A_733] : memref<2x64x128xf32, #tpu.memory_space<vmem>> -> memref<1x64x128xf32, #tpu.memory_space<vmem>>
        %scatter3A_735 = tpu.memref_squeeze %scatter3A_734 : memref<1x64x128xf32, #tpu.memory_space<vmem>> -> memref<64x128xf32, #tpu.memory_space<vmem>>
        tpu.vector_store_idx %scatter3A_735[%add3A_685, %add3A_461], %gather3A_691 : memref<64x128xf32, #tpu.memory_space<vmem>>[vector<16xi32>, vector<16xi32>], vector<16xf32>,
        %scatter3A_736 = arith.constant 1 : i32
        %scatter3A_737 = arith.constant 0 : i32
        %scatter3A_738 = arith.constant 0 : i32
        %scatter3A_739 = tpu.memref_slice %arg8[%scatter3A_736, %scatter3A_737, %scatter3A_738] : memref<2x64x128xf32, #tpu.memory_space<vmem>> -> memref<1x64x128xf32, #tpu.memory_space<vmem>>
        %scatter3A_740 = tpu.memref_squeeze %scatter3A_739 : memref<1x64x128xf32, #tpu.memory_space<vmem>> -> memref<64x128xf32, #tpu.memory_space<vmem>>
        tpu.vector_store_idx %scatter3A_740[%add3A_698, %add3A_461], %gather3A_704 : memref<64x128xf32, #tpu.memory_space<vmem>>[vector<16xi32>, vector<16xi32>], vector<16xf32>,
        %scatter3A_741 = arith.constant 1 : i32
        %scatter3A_742 = arith.constant 0 : i32
        %scatter3A_743 = arith.constant 0 : i32
        %scatter3A_744 = tpu.memref_slice %arg8[%scatter3A_741, %scatter3A_742, %scatter3A_743] : memref<2x64x128xf32, #tpu.memory_space<vmem>> -> memref<1x64x128xf32, #tpu.memory_space<vmem>>
        %scatter3A_745 = tpu.memref_squeeze %scatter3A_744 : memref<1x64x128xf32, #tpu.memory_space<vmem>> -> memref<64x128xf32, #tpu.memory_space<vmem>>
        tpu.vector_store_idx %scatter3A_745[%add3A_711, %add3A_461], %gather3A_717 : memref<64x128xf32, #tpu.memory_space<vmem>>[vector<16xi32>, vector<16xi32>], vector<16xf32>,
        %scatter3A_746 = arith.constant 1 : i32
        %scatter3A_747 = arith.constant 0 : i32
        %scatter3A_748 = arith.constant 0 : i32
        %scatter3A_749 = tpu.memref_slice %arg8[%scatter3A_746, %scatter3A_747, %scatter3A_748] : memref<2x64x128xf32, #tpu.memory_space<vmem>> -> memref<1x64x128xf32, #tpu.memory_space<vmem>>
        %scatter3A_750 = tpu.memref_squeeze %scatter3A_749 : memref<1x64x128xf32, #tpu.memory_space<vmem>> -> memref<64x128xf32, #tpu.memory_space<vmem>>
        tpu.vector_store_idx %scatter3A_750[%add3A_724, %add3A_461], %gather3A_730 : memref<64x128xf32, #tpu.memory_space<vmem>>[vector<16xi32>, vector<16xi32>], vector<16xf32>,
      }
      %scan3A_398 = arith.constant 32 : i32
      %dma_start3A_399 = arith.constant 1 : i32
      %dma_start3A_400 = arith.constant 0 : i32
      %dma_start3A_401 = arith.constant 0 : i32
      %dma_start3A_402 = tpu.memref_slice %arg8[%dma_start3A_399, %dma_start3A_400, %dma_start3A_401] : memref<2x64x128xf32, #tpu.memory_space<vmem>> -> memref<1x64x128xf32, #tpu.memory_space<vmem>>
      %dma_start3A_403 = tpu.memref_squeeze %dma_start3A_402 : memref<1x64x128xf32, #tpu.memory_space<vmem>> -> memref<64x128xf32, #tpu.memory_space<vmem>>
      %dma_start3A_404 = arith.constant 0 : i32
      %dma_start3A_405 = tpu.memref_slice %arg5[%add3A_231, %dma_start3A_404, %mul3A_2] : memref<200x64x4096xf32, #tpu.memory_space<hbm>> -> memref<1x64x128xf32, #tpu.memory_space<hbm>>
      %dma_start3A_406 = tpu.memref_squeeze %dma_start3A_405 : memref<1x64x128xf32, #tpu.memory_space<hbm>> -> memref<64x128xf32, #tpu.memory_space<hbm>>
      %dma_start3A_407 = arith.constant 0 : i32
      %dma_start3A_408 = tpu.memref_slice %arg5[%add3A_231, %dma_start3A_407, %mul3A_2] : memref<200x64x4096xf32, #tpu.memory_space<hbm>> -> memref<1x64x128xf32, #tpu.memory_space<hbm>>
      %dma_start3A_409 = tpu.memref_squeeze %dma_start3A_408 : memref<1x64x128xf32, #tpu.memory_space<hbm>> -> memref<64x128xf32, #tpu.memory_space<hbm>>
      %dma_start3A_410 = arith.constant 0 : i32
      %dma_start3A_411 = arith.constant 0 : i32
      %dma_start3A_412 = tpu.memref_slice %arg8[%dma_start3A_399, %dma_start3A_410, %dma_start3A_411] : memref<2x64x128xf32, #tpu.memory_space<vmem>> -> memref<1x64x128xf32, #tpu.memory_space<vmem>>
      %dma_start3A_413 = tpu.memref_squeeze %dma_start3A_412 : memref<1x64x128xf32, #tpu.memory_space<vmem>> -> memref<64x128xf32, #tpu.memory_space<vmem>>
      tpu.enqueue_dma source(%dma_start3A_413 : memref<64x128xf32, #tpu.memory_space<vmem>>) target(%dma_start3A_409 : memref<64x128xf32, #tpu.memory_space<hbm>>) target_semaphore(%arg13 : memref<!tpu.dma_semaphore, #tpu.memory_space<semaphore_mem>>)
    }
    %scan3A_17 = arith.constant 100 : i32
    %dma_wait3A = arith.constant 0 : i32
    %dma_wait3A_18 = arith.constant 198 : i32
    %dma_wait3A_19 = arith.constant 0 : i32
    %dma_wait3A_20 = arith.constant 0 : i32
    %dma_wait3A_21 = tpu.memref_slice %arg8[%dma_wait3A, %dma_wait3A_19, %dma_wait3A_20] : memref<2x64x128xf32, #tpu.memory_space<vmem>> -> memref<1x64x128xf32, #tpu.memory_space<vmem>>
    %dma_wait3A_22 = tpu.memref_squeeze %dma_wait3A_21 : memref<1x64x128xf32, #tpu.memory_space<vmem>> -> memref<64x128xf32, #tpu.memory_space<vmem>>
    %dma_wait3A_23 = arith.constant 0 : i32
    %dma_wait3A_24 = tpu.memref_slice %arg5[%dma_wait3A_18, %dma_wait3A_23, %mul3A_2] : memref<200x64x4096xf32, #tpu.memory_space<hbm>> -> memref<1x64x128xf32, #tpu.memory_space<hbm>>
    %dma_wait3A_25 = tpu.memref_squeeze %dma_wait3A_24 : memref<1x64x128xf32, #tpu.memory_space<hbm>> -> memref<64x128xf32, #tpu.memory_space<hbm>>
    %dma_wait3A_26 = arith.constant 0 : i32
    %dma_wait3A_27 = tpu.memref_slice %arg5[%dma_wait3A_18, %dma_wait3A_26, %mul3A_2] : memref<200x64x4096xf32, #tpu.memory_space<hbm>> -> memref<1x64x128xf32, #tpu.memory_space<hbm>>
    %dma_wait3A_28 = tpu.memref_squeeze %dma_wait3A_27 : memref<1x64x128xf32, #tpu.memory_space<hbm>> -> memref<64x128xf32, #tpu.memory_space<hbm>>
    %dma_wait3A_29 = arith.constant 0 : i32
    %dma_wait3A_30 = arith.constant 0 : i32
    %dma_wait3A_31 = tpu.memref_slice %arg8[%dma_wait3A, %dma_wait3A_29, %dma_wait3A_30] : memref<2x64x128xf32, #tpu.memory_space<vmem>> -> memref<1x64x128xf32, #tpu.memory_space<vmem>>
    %dma_wait3A_32 = tpu.memref_squeeze %dma_wait3A_31 : memref<1x64x128xf32, #tpu.memory_space<vmem>> -> memref<64x128xf32, #tpu.memory_space<vmem>>
    tpu.wait_dma2 semaphore(%arg12 : memref<!tpu.dma_semaphore, #tpu.memory_space<semaphore_mem>>) src(%dma_wait3A_32 : memref<64x128xf32, #tpu.memory_space<vmem>>) dst(%dma_wait3A_28 : memref<64x128xf32, #tpu.memory_space<hbm>>)
    %dma_wait3A_33 = arith.constant 1 : i32
    %dma_wait3A_34 = arith.constant 199 : i32
    %dma_wait3A_35 = arith.constant 0 : i32
    %dma_wait3A_36 = arith.constant 0 : i32
    %dma_wait3A_37 = tpu.memref_slice %arg8[%dma_wait3A_33, %dma_wait3A_35, %dma_wait3A_36] : memref<2x64x128xf32, #tpu.memory_space<vmem>> -> memref<1x64x128xf32, #tpu.memory_space<vmem>>
    %dma_wait3A_38 = tpu.memref_squeeze %dma_wait3A_37 : memref<1x64x128xf32, #tpu.memory_space<vmem>> -> memref<64x128xf32, #tpu.memory_space<vmem>>
    %dma_wait3A_39 = arith.constant 0 : i32
    %dma_wait3A_40 = tpu.memref_slice %arg5[%dma_wait3A_34, %dma_wait3A_39, %mul3A_2] : memref<200x64x4096xf32, #tpu.memory_space<hbm>> -> memref<1x64x128xf32, #tpu.memory_space<hbm>>
    %dma_wait3A_41 = tpu.memref_squeeze %dma_wait3A_40 : memref<1x64x128xf32, #tpu.memory_space<hbm>> -> memref<64x128xf32, #tpu.memory_space<hbm>>
    %dma_wait3A_42 = arith.constant 0 : i32
    %dma_wait3A_43 = tpu.memref_slice %arg5[%dma_wait3A_34, %dma_wait3A_42, %mul3A_2] : memref<200x64x4096xf32, #tpu.memory_space<hbm>> -> memref<1x64x128xf32, #tpu.memory_space<hbm>>
    %dma_wait3A_44 = tpu.memref_squeeze %dma_wait3A_43 : memref<1x64x128xf32, #tpu.memory_space<hbm>> -> memref<64x128xf32, #tpu.memory_space<hbm>>
    %dma_wait3A_45 = arith.constant 0 : i32
    %dma_wait3A_46 = arith.constant 0 : i32
    %dma_wait3A_47 = tpu.memref_slice %arg8[%dma_wait3A_33, %dma_wait3A_45, %dma_wait3A_46] : memref<2x64x128xf32, #tpu.memory_space<vmem>> -> memref<1x64x128xf32, #tpu.memory_space<vmem>>
    %dma_wait3A_48 = tpu.memref_squeeze %dma_wait3A_47 : memref<1x64x128xf32, #tpu.memory_space<vmem>> -> memref<64x128xf32, #tpu.memory_space<vmem>>
    tpu.wait_dma2 semaphore(%arg13 : memref<!tpu.dma_semaphore, #tpu.memory_space<semaphore_mem>>) src(%dma_wait3A_48 : memref<64x128xf32, #tpu.memory_space<vmem>>) dst(%dma_wait3A_44 : memref<64x128xf32, #tpu.memory_space<hbm>>)
    return
  }
}

</mosaic_0001>

<sc_bundles>
// kernel: _sc_embed.3.cloned.1.call-start
scs
__scs_entry_jumppad:
0x0: {  	(pc) =	sbr.rel $0x88, $3  }
0x1: {  	(tag) =	ssettag $0x0;
	lr =	simm.s32 $0x1  }
0x2: {  	[smem:$0x3F9E] =	sst lr;
	_ =	strace $0xD0000000  }
0x3: {  	_ = 	snop  }
0x4: {  	_ = 	snop  }
0x5: {  	_ = 	snop  }
0x6: {  	_ = 	snop  }
0x7: {  	_ = 	snop  }
__scs_overlays_trampoline_lowered:
0x8: {  	[smem:$0x3FAD] =	sst s0  }
0x9: {  	[smem:$0x3FAE] =	sst s1  }
0xa: {  	[smem:$0x3FAF] =	sst s2  }
0xb: {  	[smem:$0x3FB0] =	sst s3  }
0xc: {  	[smem:$0x3FB1] =	sst s4  }
0xd: {  	[smem:$0x3FB2] =	sst s5  }
0xe: {  	[smem:$0x3FB3] =	sst s6  }
0xf: {  	[smem:$0x3FB4] =	sst s7  }
0x10: {  	[smem:$0x3FB5] =	sst s8  }
0x11: {  	[smem:$0x3FB6] =	sst s9;
	s0 =	simm.s32 @!p0 $0x0  }
0x12: {  	s1 =	sld [smem:$0x3F9C];
	s0 =	simm.s32 @p0 $0x1  }
0x13: {  	[smem:$0x3FB7] =	sst s0;
	s0 =	simm.s32 @!p1 $0x0  }
0x14: {  	s2 =	sld [smem:$0x3F9B];
	s0 =	simm.s32 @p1 $0x1  }
0x15: {  	[smem:$0x3FB8] =	sst s0;
	s0 =	simm.s32 @!p2 $0x0  }
0x16: {  	s3 =	sld [smem:$0x3FDB];
	s0 =	simm.s32 @p2 $0x1  }
0x17: {  	s4 =	simm.s32 $0x1BF5;
	[smem:$0x3FBA] =	sst s0  }
0x18: {  	s0 =	sld [smem:$0x3F9D];
	_ =	swait.ge [sflag:s4], $0x0  }
0x19: {  	s7 =	sld [smem:$0x3F9E]  }
0x1a: {  	s8 =	sadd.s32 $0xFFFFE003, lr  }
0x1b: {  	s9 =	sadd.s32 $0xFFFFFEF7, lr;
	s5 =	simm.s32 $0xFFFFFFFF;
	p2 =	slt.u32 s8, $0xFFFFF086  }
0x1c: {  	p1 =	slt.u32 s9, $0xF7A;
	s5 =	simm.s32 @!p2 $0x0  }
0x1d: {  	s5 =	simm.s32 @p1 $0x1;
	p0 =	seq.s32 s7, s2  }
0x1e: {  	s7 =	smul.u32 @!p0 $0xF7A, s2;
	p2 =	seq.s32 @!p0 s5, $0x0  }
0x1f: {  	s9 =	smul.u32 $0xF7A, s1;
	s8 =	simm.s32 @!p0 $0x1BF5;
	p2 =	por !p2, p0  }
0x20: {  	[sflag:s8] =	ssyncset.s32 @!p0 $0xFFFFF086;
	s6 =	sadd.s32 @!p0 s3, s7;
	s7 =	simm.s32 @!p0 $0x108  }
0x21: {  	s3 =	sadd.s32 s3, s9;
	s6 =	sadd.s32 @!p0 $0x88, s6;
	s7 =	simm.s32 @p2 $0x1082  }
0x22: {  	[simem:s7], [sflag:s8] =	dma.local @!p0 [hbm:s6], $0xF7A  }
0x23: {  	s9 =	sor.u32 $0xD0000000, s2;
	s6 =	simm.s32 $0x108;
	_ =	swait.ge @!p0 [sflag:s8], $0x0  }
0x24: {  	s3 =	sadd.s32 $0x88, s3;
	s6 =	simm.s32 @!p1 $0x1082;
	[sflag:s4] =	ssyncset.s32 $0xFFFFF086  }
0x25: {  	[simem:s6], [sflag:s4] =	dma.local [hbm:s3], $0xF7A  }
0x26: {  	[smem:$0x3F9E] =	sst s1;
	(tag) =	ssettag s2;
	_ =	strace s9  }
0x27: {  	s1 =	sld [smem:$0x3FAE]  }
0x28: {  	s2 =	sld [smem:$0x3FAF]  }
0x29: {  	s4 =	sld [smem:$0x3FB1]  }
0x2a: {  	p0 =	seq.s32 s5, $0x0;
	s5 =	sld [smem:$0x3FB2]  }
0x2b: {  	s6 =	sld [smem:$0x3FB3]  }
0x2c: {  	s7 =	sld [smem:$0x3FB4]  }
0x2d: {  	s3 =	simm.s32 $0x108;
	s8 =	sld [smem:$0x3FB5]  }
0x2e: {  	s3 =	simm.s32 @!p0 $0x1082;
	s9 =	sld [smem:$0x3FB6]  }
0x2f: {  	lr =	sadd.s32 s0, s3;
	s0 =	sld [smem:$0x3FAD]  }
0x30: {  	s3 =	sld [smem:$0x3FB0]  }
0x31: {  	[smem:$0x3FB9] =	sst s10  }
0x32: {  	s10 =	sld [smem:$0x3FB7];
	_ =	sdelay $0x3  }
0x33: {  	p0 =	seq.s32 s10, $0x1;
	s10 =	sld [smem:$0x3FB9];
	_ =	sdelay $0x3  }
0x34: {  	[smem:$0x3FB9] =	sst s10  }
0x35: {  	s10 =	sld [smem:$0x3FB8];
	_ =	sdelay $0x3  }
0x36: {  	p1 =	seq.s32 s10, $0x1;
	s10 =	sld [smem:$0x3FB9];
	_ =	sdelay $0x3  }
0x37: {  	[smem:$0x3FB9] =	sst s10  }
0x38: {  	s10 =	sld [smem:$0x3FBA]  }
0x39: {  	_ = 	snop;
	(pc) =	sbr.ind lr, $3  }
0x3a: {  	_ = 	snop  }
0x3b: {  	_ = 	snop  }
0x3c: {  	p2 =	seq.s32 s10, $0x1;
	s10 =	sld [smem:$0x3FB9]  }
0x3d: {  	_ =	shalt  }
0x3e: {  	_ =	shalt  }
0x3f: {  	_ =	shalt  }
0x40: {  	_ =	shalt  }
0x41: {  	_ =	shalt  }
0x42: {  	_ =	shalt  }
0x43: {  	_ =	shalt  }
0x44: {  	_ =	shalt  }
0x45: {  	_ =	shalt  }
0x46: {  	_ =	shalt  }
0x47: {  	_ =	shalt  }
0x48: {  	_ =	shalt  }
0x49: {  	_ =	shalt  }
0x4a: {  	_ =	shalt  }
0x4b: {  	_ =	shalt  }
0x4c: {  	_ =	shalt  }
0x4d: {  	_ =	shalt  }
0x4e: {  	_ =	shalt  }
0x4f: {  	_ =	shalt  }
0x50: {  	_ =	shalt  }
0x51: {  	_ =	shalt  }
0x52: {  	_ =	shalt  }
0x53: {  	_ =	shalt  }
0x54: {  	_ =	shalt  }
0x55: {  	_ =	shalt  }
0x56: {  	_ =	shalt  }
0x57: {  	_ =	shalt  }
0x58: {  	_ =	shalt  }
0x59: {  	_ =	shalt  }
0x5a: {  	_ =	shalt  }
0x5b: {  	_ =	shalt  }
0x5c: {  	_ =	shalt  }
0x5d: {  	_ =	shalt  }
0x5e: {  	_ =	shalt  }
0x5f: {  	_ =	shalt  }
0x60: {  	_ =	shalt  }
0x61: {  	_ =	shalt  }
0x62: {  	_ =	shalt  }
0x63: {  	_ =	shalt  }
0x64: {  	_ =	shalt  }
0x65: {  	_ =	shalt  }
0x66: {  	_ =	shalt  }
0x67: {  	_ =	shalt  }
0x68: {  	_ =	shalt  }
0x69: {  	_ =	shalt  }
0x6a: {  	_ =	shalt  }
0x6b: {  	_ =	shalt  }
0x6c: {  	_ =	shalt  }
0x6d: {  	_ =	shalt  }
0x6e: {  	_ =	shalt  }
0x6f: {  	_ =	shalt  }
0x70: {  	_ =	shalt  }
0x71: {  	_ =	shalt  }
0x72: {  	_ =	shalt  }
0x73: {  	_ =	shalt  }
0x74: {  	_ =	shalt  }
0x75: {  	_ =	shalt  }
0x76: {  	_ =	shalt  }
0x77: {  	_ =	shalt  }
0x78: {  	_ =	shalt  }
0x79: {  	_ =	shalt  }
0x7a: {  	_ =	shalt  }
0x7b: {  	_ =	shalt  }
0x7c: {  	_ =	shalt  }
0x7d: {  	_ =	shalt  }
0x7e: {  	_ =	shalt  }
0x7f: {  	_ =	shalt  }
0x80: {  	_ =	shalt  }
0x81: {  	_ =	shalt  }
0x82: {  	_ =	shalt  }
0x83: {  	_ =	shalt  }
0x84: {  	_ =	shalt  }
0x85: {  	_ =	shalt  }
0x86: {  	_ =	shalt  }
0x87: {  	_ =	shalt  }
.Lfunc_end0:
.L_simem_size_0:
called_computation_lowered:
.L_overlay_start_0:
0x88: {  	s2 =	sld [smem:$0x3FD9]  }
0x89: {  	s3 =	sld [smem:$0x3FFE];
	_ =	sdelay $0x1  }
0x8a: {  	s1 =	srdreg.scid  }
0x8b: {  	s0 =	sand.u32 $0x1, s1  }
0x8c: {  	s18 =	sshll.u32 s0, $0xA;
	s2 =	sadd.s32 s3, s2  }
0x8d: {  	s2 =	sadd.s32 s2, s18  }
0x8e: {  	[smem:$0x3FC5] =	sst s2  }
0x8f: {  	_ = 	snop  }
0x90: {  	s2 =	sld [smem:$0x3FC9]  }
0x91: {  	s19 =	sld [smem:$0x3FC8]  }
0x92: {  	s4 =	sld [smem:$0x3FC7]  }
0x93: {  	s5 =	sld [smem:$0x3FD0];
	(tm) =	ssettm $0x1  }
0x94: {  	s6 =	sld [smem:$0x3FFB];
	_ =	sdelay $0x3  }
0x95: {  	_ =	strace s6  }
0x96: {  	s6 =	sld [smem:$0x3FFC];
	_ =	sdelay $0x3  }
0x97: {  	_ =	strace s6  }
0x98: {  	s6 =	sld [smem:$0x3FFD];
	_ =	sdelay $0x3  }
0x99: {  	_ =	strace s6  }
0x9a: {  	_ =	strace $0x8FFFFFFF  }
0x9b: {  	s20 =	sld [smem:$0x3FDB];
	_ =	sdelay $0x1  }
0x9c: {  	s7 =	simm.s32 $_scs_section_size  }
0x9d: {  	s8 =	simm.s32 $_size__tile_overlayer_lowered;
	s9 =	simm.s32 $_tile_overlayer_lowered  }
0x9e: {  	s23 =	simm.s32 $0x1BFF;
	s22 =	sshll.u32 s9, $0x1;
	s6 =	sadd.s32 s7, s20  }
0x9f: {  	s10 =	simm.s32 $0x0;
	s21 =	sshll.u32 s8, $0x1;
	s8 =	sadd.s32 s22, s6  }
0xa0: {  	[timem:s10], [sflag:s23] =	dma.local [hbm:s8], s21  }
0xa1: {  	_ =	swait.ge [sflag:s23], s21  }
0xa2: {  	s7 =	ssub.s32 $0x0, s21;
	[sflag:s23] =	ssyncset.done $0x0  }
0xa3: {  	[sflag:s23] =	ssyncadd.s32 s7;
	_ =	sdelay $0x1  }
0xa4: {  	s24 =	simm.s32 $0x1B8B  }
0xa5: {  	_ =	swait.ge [sflag:s24], $0x1  }
0xa6: {  	[sflag:s24] =	ssyncset.done $0x0  }
0xa7: {  	s25 =	simm.s32 $0x1B8E;
	[sflag:s24] =	ssyncadd.s32 $0xFFFFFFFF  }
0xa8: {  	s26 =	simm.s32 $execute0_lowered;
	[smem:$0x3FD2] =	sst s25  }
0xa9: {  	s7 =	sshll.u32 s26, $0x1;
	_ =	strace $0x80000046;
	[dreg:$0x1] =	wrdreg $0xFFFFFFFF  }
0xaa: {  	s28 =	simm.s32 $_size_execute0_lowered;
	s6 =	sadd.s32 s6, s7;
	[dreg:$0x0] =	wrdreg $0x0  }
0xab: {  	s7 =	sshll.u32 s28, $0x1;
	[dreg:$0x2] =	wrdreg s6  }
0xac: {  	[dreg:$0x3] =	wrdreg s7  }
0xad: {  	[dreg:$0x4] =	wrdreg $0xC0  }
0xae: {  	_ =	task [dreg:s10], $0x5FFFF  }
0xaf: {  	[dreg:$0x1] =	wrdreg $0xFFFFFFFF  }
0xb0: {  	[dreg:$0x0] =	wrdreg $0x60  }
0xb1: {  	[dreg:$0x2] =	wrdreg s2  }
0xb2: {  	[dreg:$0x3] =	wrdreg s19  }
0xb3: {  	[dreg:$0x4] =	wrdreg s4  }
0xb4: {  	[dreg:$0x5] =	wrdreg s5  }
0xb5: {  	[dreg:$0x6] =	wrdreg $0x9  }
0xb6: {  	_ =	task.clear_ibuf [dreg:s10], $0x7FFFF;
	_ =	strace $0x90000046  }
0xb7: {  	s29 =	simm.s32 $0x9;
	_ =	strace $0x80000048  }
0xb8: {  	_ =	swait.ge [sflag:s29], $0x1  }
0xb9: {  	[sflag:s29] =	ssyncadd.s32 $0xFFFFFFFF  }
0xba: {  	_ =	strace $0x90000048  }
0xbb: {  	_ =	sfence  }
0xbc: {  	s30 =	sld [smem:$0x0];
	_ =	sdelay $0x2  }
0xbd: {  	s31 =	sshll.u32 s1, $0xD;
	s1 =	sshrl.u32 s1, $0x2  }
0xbe: {  	s3 =	sand.u32 $0x4000, s31;
	s1 =	sadd.s32 s1, s30  }
0xbf: {  	s0 =	sor.u32 s3, s0;
	s1 =	sshll.u32 s1, $0x11  }
0xc0: {  	s0 =	sor.u32 s1, s0  }
0xc1: {  	s0 =	sadd.s32 $0x8F2B, s0  }
0xc2: {  	[sflag:s0] =	ssyncadd.remote.s32 $0x1  }
0xc3: {  	_ =	sfence.sel $0xFFFF  }
0xc4: {  	[dreg:$0x0] =	wrdreg $0xFFFFFFFF;
	(pc) =	sbr.abs _section_cstart, $3  }
0xc5: {  	[dreg:$0x1] =	wrdreg $0xFFFFFFFF  }
0xc6: {  	_ =	task.clear_ibuf [dreg:s10], $0x2FFFF;
	_ =	strace $0x9FFFFFFF  }
0xc7: {  	(tm) =	ssettm $0x7FFFFFFF  }
tec
execute0_lowered:
.L_overlay_start_1:
0x0: {  	(tag) =	ssettag $0x1  }
0x1: {  	v0 =	vimm.s32 $0xFEDCBA9  }
0x2: {  	v2 =	vimm.s32 $0x87654321;
	v3 =	vimm.s32 $0x98765432;
	v4 =	vimm.s32 $0x210FEDCB  }
0x3: {  	v5 =	vimm.s32 $0xA9876543;
	v15 =	vimm.s32 $0xCBA98765;
	v17 =	vimm.s32 $0x6543210F  }
0x4: {  	v18 =	vimm.s32 $0xEDCBA987;
	v19 =	vimm.s32 $0xFEDCBA98;
	v20 =	vimm.s32 $0x76543210  }
0x5: {  	v1 =	vunpack.c.l.s4.s8 v0;
	v0 =	vlaneseq.u32;
	v3 =	vunpack.c.l.s4.s8 v3  }
0x6: {  	v4 =	vunpack.c.l.s4.s8 v4;
	v17 =	vunpack.c.l.s4.s8 v17;
	v18 =	vunpack.c.l.s4.s8 v18  }
0x7: {  	v19 =	vunpack.c.l.s4.s8 v19;
	v7 =	vunpack.c.0.s8.s32 v1;
	v1 =	vunpack.c.l.s4.s8 v2  }
0x8: {  	v2 =	vimm.s32 $0x10FEDCBA;
	v10 =	vunpack.c.0.s8.s32 v3;
	v11 =	vunpack.c.0.s8.s32 v4  }
0x9: {  	v17 =	vunpack.c.0.s8.s32 v17;
	v18 =	vunpack.c.0.s8.s32 v18;
	v2 =	vunpack.c.l.s4.s8 v2  }
0xa: {  	v19 =	vunpack.c.0.s8.s32 v19;
	v8 =	vunpack.c.0.s8.s32 v1;
	v1 =	vunpack.c.l.s4.s8 v5  }
0xb: {  	v23 =	vcombine.low v18, v17;
	v9 =	vunpack.c.0.s8.s32 v2;
	v2 =	vimm.s32 $0x3210FEDC  }
0xc: {  	v19 =	vand.u32 $0xF, v19;
	v12 =	vunpack.c.0.s8.s32 v1;
	v1 =	vunpack.c.l.s4.s8 v2  }
0xd: {  	v2 =	vimm.s32 $0xBA987654;
	v3 =	vcombine.low v8, v7;
	v63 =	vcombine.low v7, v8  }
0xe: {  	v8 =	vand.u32 $0xF, v23;
	v4 =	vcombine.low v10, v9;
	v2 =	vunpack.c.l.s4.s8 v2  }
0xf: {  	s7 =	rddreg [dreg:$0x0];
	v10 =	vcombine.low v9, v10;
	v5 =	vcombine.low v12, v11;
	v13 =	vunpack.c.0.s8.s32 v1  }
0x10: {  	s0 =	rddreg [dreg:$0x1];
	v1 =	vimm.s32 $0x43210FED;
	v11 =	vcombine.low v11, v12;
	v14 =	vunpack.c.0.s8.s32 v2  }
0x11: {  	s1 =	rddreg [dreg:$0x2];
	s3 =	srdreg.scid;
	v6 =	vunpack.c.l.s4.s8 v1;
	v2 =	vand.u32 $0xF, v4;
	v4 =	vunpack.c.l.s4.s8 v15  }
0x12: {  	s4 =	rddreg [dreg:$0x3];
	s2 =	stileid.u32;
	s5 =	simm.s32 $0x0;
	v9 =	vand.u32 $0xF, v63;
	v1 =	vand.u32 $0xF, v3;
	v10 =	vand.u32 $0xF, v10  }
0x13: {  	s11 =	simm.s32 $0x400;
	s12 =	simm.s32 $0x8000;
	s13 =	simm.s32 $0x80;
	v3 =	vand.u32 $0xF, v5;
	v15 =	vunpack.c.0.s8.s32 v6;
	v16 =	vunpack.c.0.s8.s32 v4  }
0x14: {  	s14 =	simm.s32 $0x6400;
	s15 =	simm.s32 $0xA400;
	s16 =	simm.s32 $0x1;
	v4 =	vimm.s32 $0x543210FE;
	v6 =	vimm.s32 $0xDCBA9876;
	v12 =	vcombine.low v13, v14  }
0x15: {  	s17 =	simm.s32 $0xE400;
	s18 =	simm.s32 $0x2;
	s19 =	simm.s32 $0x10400;
	v11 =	vand.u32 $0xF, v11;
	v4 =	vunpack.c.l.s4.s8 v4;
	v6 =	vunpack.c.l.s4.s8 v6  }
0x16: {  	s20 =	simm.s32 $0x3;
	s21 =	simm.s32 $0x4;
	s22 =	simm.s32 $0x0;
	v5 =	vcombine.low v14, v13;
	v13 =	vcombine.low v15, v16;
	v12 =	vand.u32 $0xF, v12  }
0x17: {  	s6 =	sand.u32 $0x1, s3;
	s3 =	rddreg [dreg:$0x4];
	s8 =	sshll.u32 s2, $0xB;
	v21 =	vunpack.c.0.s8.s32 v4;
	v22 =	vunpack.c.0.s8.s32 v6;
	v6 =	vunpack.c.l.s4.s8 v20  }
0x18: {  	[smem:$0x7FF] =	sst s5;
	s9 =	sshll.u32 s6, $0xA;
	s10 =	ssub.s32 $0x2, s6;
	v4 =	vand.u32 $0xF, v5;
	v5 =	vcombine.low v16, v15;
	v15 =	vcombine.low v17, v18  }
0x19: {  	_ =	strace $0x80000047;
	s6 =	sor.u32 s9, s8;
	s31 =	sshrl.u32 s10, $0x1;
	v6 =	vunpack.c.0.s8.s32 v6;
	v62 =	vcombine.low v22, v21;
	v14 =	vcombine.low v21, v22  }
0x1a: {  	s9 =	sshrl.u32 s6, $0x3;
	s8 =	ssub.s32 s10, s31;
	s10 =	simm.s32 $0x5;
	v13 =	vand.u32 $0xF, v13;
	v5 =	vand.u32 $0xF, v5;
	v15 =	vand.u32 $0xF, v15  }
0x1b: {  	s7 =	sadd.s32 s7, s9;
	s8 =	smax.u32 s8, $0x1;
	s9 =	simm.s32 $0x12400;
	v6 =	vcombine.low v19, v6;
	v7 =	vand.u32 $0xF, v62;
	v14 =	vand.u32 $0xF, v14  }
.LBB2_1:
0x1c: {  	[tilespmem:s9], [sflag:$0x5] =	stream.linear.gather [hbm4b:s1+s5], $0x3200, $0x38;
	[tilespmem:$0x15800] =	vst v63  }
0x1d: {  	_ =	swait.ge [sflag:s10], $0x3200  }
0x1e: {  	[sflag:s10] =	ssyncset.done $0x0  }
0x1f: {  	[sflag:s10] =	ssyncadd.s32 $0xFFFFCE00  }
0x20: {  	[tilespmem:s5], [sflag:$0x5] =	stream.strided.gather [hbm4b:s7+s11], $0x6400, s12, s11, $0x38;
	[tilespmem:$0x15800] =	vst v63  }
0x21: {  	_ =	swait.ge [sflag:s10], $0x6400  }
0x22: {  	[sflag:s10] =	ssyncset.done $0x0  }
0x23: {  	s23 =	simm.s32 $0x0;
	[sflag:s10] =	ssyncadd.s32 $0xFFFF9C00  }
0x24: {  	[tilespmem:s14], [sflag:$0x1] =	stream.indirect.gather [hbm4b:s0+s13], $0x80, s5, s13, $0xb8;
	[tilespmem:$0x15800] =	vst v63  }
.LBB2_2:
0x25: {  	s24 =	sshllo.u32 s23, $0x1  }
0x26: {  	s25 =	sshll.u32 s24, $0x7  }
0x27: {  	p0 =	seq.s32 s23, $0x0;
	s25 =	sand.u32 $0x3FFFFF80, s25  }
0x28: {  	[tilespmem:s15], [sflag:$0x2] =	stream.indirect.gather [hbm4b:s0+s13], $0x80, s25, s13, $0xb8;
	[tilespmem:$0x15800] =	vst v63  }
0x29: {  	s25 =	simm.s32 @!p0 $0x3  }
0x2a: {  	_ =	swait.ge @!p0 [sflag:s25], $0x2000  }
0x2b: {  	[sflag:s25] =	ssyncset.done @!p0 $0x0  }
0x2c: {  	[sflag:s25] =	ssyncadd.s32 @!p0 $0xFFFFE000  }
0x2d: {  	_ =	swait.ge [sflag:s16], $0x4000  }
0x2e: {  	s31 =	sshll.u32 s23, $0x7;
	[sflag:s16] =	ssyncset.done $0x0  }
0x2f: {  	s25 =	sand.u32 $0x3FFFFF80, s31;
	[sflag:s16] =	ssyncadd.s32 $0xFFFFC000  }
0x30: {  	v19 =	vld [tilespmem:s25+$0x12430]  }
0x31: {  	v18 =	vld [tilespmem:s25+$0x12400]  }
0x32: {  	v17 =	vld [tilespmem:s25+$0x12410]  }
0x33: {  	v16 =	vld [tilespmem:s25+$0x12420]  }
0x34: {  	s28 =	simm.s32 $0x0;
	s26 =	simm.s32 $0x0;
	s29 =	simm.s32 $0x1000  }
.LBB2_3:
0x35: {  	p0 =	sne.s32 s29, $0xF000;
	[tilespmem:s26+$0x67B0] =	vst.add.f32.msk $0xffff, v19  }
0x36: {  	[tilespmem:s26+$0x6400] =	vst.add.f32.msk $0xffff, v18  }
0x37: {  	[tilespmem:s26+$0x6410] =	vst.add.f32.msk $0xffff, v17  }
0x38: {  	[tilespmem:s26+$0x6420] =	vst.add.f32.msk $0xffff, v16  }
0x39: {  	[tilespmem:s26+$0x6430] =	vst.add.f32.msk $0xffff, v19  }
0x3a: {  	[tilespmem:s26+$0x6480] =	vst.add.f32.msk $0xffff, v18  }
0x3b: {  	[tilespmem:s26+$0x6490] =	vst.add.f32.msk $0xffff, v17  }
0x3c: {  	[tilespmem:s26+$0x64A0] =	vst.add.f32.msk $0xffff, v16  }
0x3d: {  	[tilespmem:s26+$0x64B0] =	vst.add.f32.msk $0xffff, v19  }
0x3e: {  	[tilespmem:s26+$0x6500] =	vst.add.f32.msk $0xffff, v18  }
0x3f: {  	[tilespmem:s26+$0x6510] =	vst.add.f32.msk $0xffff, v17  }
0x40: {  	[tilespmem:s26+$0x6520] =	vst.add.f32.msk $0xffff, v16  }
0x41: {  	[tilespmem:s26+$0x6530] =	vst.add.f32.msk $0xffff, v19  }
0x42: {  	[tilespmem:s26+$0x6580] =	vst.add.f32.msk $0xffff, v18  }
0x43: {  	[tilespmem:s26+$0x6590] =	vst.add.f32.msk $0xffff, v17  }
0x44: {  	[tilespmem:s26+$0x65A0] =	vst.add.f32.msk $0xffff, v16  }
0x45: {  	[tilespmem:s26+$0x65B0] =	vst.add.f32.msk $0xffff, v19  }
0x46: {  	[tilespmem:s26+$0x6600] =	vst.add.f32.msk $0xffff, v18  }
0x47: {  	[tilespmem:s26+$0x6610] =	vst.add.f32.msk $0xffff, v17  }
0x48: {  	[tilespmem:s26+$0x6620] =	vst.add.f32.msk $0xffff, v16  }
0x49: {  	[tilespmem:s26+$0x6630] =	vst.add.f32.msk $0xffff, v19  }
0x4a: {  	[tilespmem:s26+$0x6680] =	vst.add.f32.msk $0xffff, v18  }
0x4b: {  	[tilespmem:s26+$0x6690] =	vst.add.f32.msk $0xffff, v17  }
0x4c: {  	[tilespmem:s26+$0x66A0] =	vst.add.f32.msk $0xffff, v16  }
0x4d: {  	[tilespmem:s26+$0x66B0] =	vst.add.f32.msk $0xffff, v19  }
0x4e: {  	[tilespmem:s26+$0x6700] =	vst.add.f32.msk $0xffff, v18  }
0x4f: {  	[tilespmem:s26+$0x6710] =	vst.add.f32.msk $0xffff, v17  }
.Ltmp0:
0x50: {  	[tilespmem:s26+$0x6720] =	vst.add.f32.msk $0xffff, v16;
	(pc) =	sbr.rel @p0 .LBB2_3-.Ltmp0, $4  }
0x51: {  	[tilespmem:s26+$0x6730] =	vst.add.f32.msk $0xffff, v19  }
0x52: {  	[tilespmem:s26+$0x6780] =	vst.add.f32.msk $0xffff, v18  }
0x53: {  	[tilespmem:s26+$0x6790] =	vst.add.f32.msk $0xffff, v17  }
0x54: {  	[tilespmem:s26+$0x67A0] =	vst.add.f32.msk $0xffff, v16;
	s26 =	sshra.s32 s29, $0x2;
	s29 =	sadd.s32 $0x1000, s29  }
0x55: {  	[tilespmem:s26+$0x67B0] =	vst.add.f32.msk $0xffff, v19  }
0x56: {  	[tilespmem:s26+$0x6400] =	vst.add.f32.msk $0xffff, v18  }
0x57: {  	[tilespmem:s26+$0x6410] =	vst.add.f32.msk $0xffff, v17  }
0x58: {  	[tilespmem:s26+$0x6420] =	vst.add.f32.msk $0xffff, v16  }
0x59: {  	[tilespmem:s26+$0x6430] =	vst.add.f32.msk $0xffff, v19  }
0x5a: {  	[tilespmem:s26+$0x6480] =	vst.add.f32.msk $0xffff, v18  }
0x5b: {  	[tilespmem:s26+$0x6490] =	vst.add.f32.msk $0xffff, v17  }
0x5c: {  	[tilespmem:s26+$0x64A0] =	vst.add.f32.msk $0xffff, v16  }
0x5d: {  	[tilespmem:s26+$0x64B0] =	vst.add.f32.msk $0xffff, v19  }
0x5e: {  	[tilespmem:s26+$0x6500] =	vst.add.f32.msk $0xffff, v18  }
0x5f: {  	[tilespmem:s26+$0x6510] =	vst.add.f32.msk $0xffff, v17  }
0x60: {  	[tilespmem:s26+$0x6520] =	vst.add.f32.msk $0xffff, v16  }
0x61: {  	[tilespmem:s26+$0x6530] =	vst.add.f32.msk $0xffff, v19  }
0x62: {  	[tilespmem:s26+$0x6580] =	vst.add.f32.msk $0xffff, v18  }
0x63: {  	[tilespmem:s26+$0x6590] =	vst.add.f32.msk $0xffff, v17  }
0x64: {  	[tilespmem:s26+$0x65A0] =	vst.add.f32.msk $0xffff, v16  }
0x65: {  	[tilespmem:s26+$0x65B0] =	vst.add.f32.msk $0xffff, v19  }
0x66: {  	[tilespmem:s26+$0x6600] =	vst.add.f32.msk $0xffff, v18  }
0x67: {  	[tilespmem:s26+$0x6610] =	vst.add.f32.msk $0xffff, v17  }
0x68: {  	[tilespmem:s26+$0x6620] =	vst.add.f32.msk $0xffff, v16  }
0x69: {  	[tilespmem:s26+$0x6630] =	vst.add.f32.msk $0xffff, v19  }
0x6a: {  	[tilespmem:s26+$0x6680] =	vst.add.f32.msk $0xffff, v18  }
0x6b: {  	[tilespmem:s26+$0x6690] =	vst.add.f32.msk $0xffff, v17  }
0x6c: {  	[tilespmem:s26+$0x66A0] =	vst.add.f32.msk $0xffff, v16  }
0x6d: {  	[tilespmem:s26+$0x66B0] =	vst.add.f32.msk $0xffff, v19;
	s29 =	sand.u32 $0x70, s28  }
0x6e: {  	[tilespmem:s26+$0x6700] =	vst.add.f32.msk $0xffff, v18;
	s28 =	sand.u32 $0x30, s28;
	v20 =	vor.u32 s29, v0  }
0x6f: {  	[tilespmem:s26+$0x6710] =	vst.add.f32.msk $0xffff, v17;
	v21 =	vor.u32 s28, v0;
	v22 =	vshll.u32 v20, $0x7  }
0x70: {  	[tilespmem:s26+$0x6720] =	vst.add.f32.msk $0xffff, v16;
	v24 =	vor.u32 s28, v1;
	v23 =	vor.u32 v21, v22  }
0x71: {  	[tilespmem:s26+$0x6730] =	vst.add.f32.msk $0xffff, v19;
	v19 =	vor.u32 s28, v2;
	v25 =	vor.u32 v24, v22  }
0x72: {  	[tilespmem:s26+$0x6780] =	vst.add.f32.msk $0xffff, v18;
	v26 =	vor.u32 s28, v3;
	v18 =	vor.u32 v19, v22  }
0x73: {  	[tilespmem:s26+$0x6790] =	vst.add.f32.msk $0xffff, v17;
	v17 =	vor.u32 v26, v22  }
0x74: {  	[tilespmem:s26+$0x67A0] =	vst.add.f32.msk $0xffff, v16;
	v16 =	vshll.u32 v21, $0x7  }
0x75: {  	v21 =	vshll.u32 v24, $0x7;
	v16 =	vor.u32 v20, v16;
	v23 =	vld.idx.msk [tilespmem:v23+s14+$0x0], $0xffff  }
0x76: {  	v19 =	vshll.u32 v19, $0x7;
	v21 =	vor.u32 v20, v21;
	v24 =	vld.idx.msk [tilespmem:v25+s14+$0x0], $0xffff  }
0x77: {  	v19 =	vor.u32 v20, v19;
	v25 =	vshll.u32 v26, $0x7;
	v18 =	vld.idx.msk [tilespmem:v18+s14+$0x0], $0xffff  }
0x78: {  	v17 =	vld.idx.msk [tilespmem:v17+s14+$0x0], $0xffff;
	v26 =	vor.u32 s28, v4;
	v25 =	vor.u32 v20, v25  }
0x79: {  	v28 =	vor.u32 s28, v5;
	v27 =	vor.u32 v26, v22  }
0x7a: {  	v29 =	vor.u32 s28, v7;
	[tilespmem:v16+s17+$0x0] =	vst.idx.msk $0xffff, v23;
	v16 =	vor.u32 v28, v22  }
0x7b: {  	v23 =	vor.u32 v29, v22;
	[tilespmem:v21+s17+$0x0] =	vst.idx.msk $0xffff, v24;
	v21 =	vor.u32 s28, v8  }
0x7c: {  	[tilespmem:v19+s17+$0x0] =	vst.idx.msk $0xffff, v18;
	v18 =	vor.u32 v21, v22  }
0x7d: {  	[tilespmem:v25+s17+$0x0] =	vst.idx.msk $0xffff, v17;
	v17 =	vshll.u32 v26, $0x7  }
0x7e: {  	v24 =	vshll.u32 v28, $0x7;
	v19 =	vld.idx.msk [tilespmem:v27+s14+$0x0], $0xffff;
	v17 =	vor.u32 v20, v17  }
0x7f: {  	v24 =	vor.u32 v20, v24;
	v25 =	vshll.u32 v29, $0x7;
	v16 =	vld.idx.msk [tilespmem:v16+s14+$0x0], $0xffff  }
0x80: {  	v21 =	vshll.u32 v21, $0x7;
	v25 =	vor.u32 v20, v25;
	v23 =	vld.idx.msk [tilespmem:v23+s14+$0x0], $0xffff  }
0x81: {  	v21 =	vor.u32 v20, v21;
	v26 =	vor.u32 s28, v6;
	v18 =	vld.idx.msk [tilespmem:v18+s14+$0x0], $0xffff  }
0x82: {  	v27 =	vor.u32 s28, v9;
	v28 =	vor.u32 v26, v22  }
0x83: {  	v29 =	vor.u32 v27, v22;
	[tilespmem:v17+s17+$0x0] =	vst.idx.msk $0xffff, v19;
	v17 =	vor.u32 s28, v10  }
0x84: {  	v19 =	vor.u32 s28, v11;
	[tilespmem:v24+s17+$0x0] =	vst.idx.msk $0xffff, v16;
	v16 =	vor.u32 v17, v22  }
0x85: {  	[tilespmem:v25+s17+$0x0] =	vst.idx.msk $0xffff, v23;
	v23 =	vor.u32 v19, v22  }
0x86: {  	[tilespmem:v21+s17+$0x0] =	vst.idx.msk $0xffff, v18;
	v18 =	vshll.u32 v26, $0x7  }
0x87: {  	v24 =	vshll.u32 v27, $0x7;
	v21 =	vld.idx.msk [tilespmem:v28+s14+$0x0], $0xffff;
	v18 =	vor.u32 v20, v18  }
0x88: {  	v17 =	vshll.u32 v17, $0x7;
	v24 =	vor.u32 v20, v24;
	v25 =	vld.idx.msk [tilespmem:v29+s14+$0x0], $0xffff  }
0x89: {  	v17 =	vor.u32 v20, v17;
	v19 =	vshll.u32 v19, $0x7;
	v16 =	vld.idx.msk [tilespmem:v16+s14+$0x0], $0xffff  }
0x8a: {  	v19 =	vor.u32 v20, v19;
	v26 =	vor.u32 s28, v12;
	v23 =	vld.idx.msk [tilespmem:v23+s14+$0x0], $0xffff  }
0x8b: {  	v27 =	vor.u32 v26, v22;
	v28 =	vor.u32 s28, v13  }
0x8c: {  	[tilespmem:v18+s17+$0x0] =	vst.idx.msk $0xffff, v21;
	v18 =	vor.u32 v28, v22;
	v21 =	vor.u32 s28, v14  }
0x8d: {  	[tilespmem:v24+s17+$0x0] =	vst.idx.msk $0xffff, v25;
	v24 =	vor.u32 v21, v22  }
0x8e: {  	v25 =	vor.u32 s28, v15;
	[tilespmem:v17+s17+$0x0] =	vst.idx.msk $0xffff, v16  }
0x8f: {  	v17 =	vor.u32 v25, v22;
	v16 =	vshll.u32 v26, $0x7;
	[tilespmem:v19+s17+$0x0] =	vst.idx.msk $0xffff, v23  }
0x90: {  	v23 =	vor.u32 v20, v16;
	v16 =	vshll.u32 v28, $0x7;
	v19 =	vld.idx.msk [tilespmem:v27+s14+$0x0], $0xffff  }
0x91: {  	v21 =	vshll.u32 v21, $0x7;
	s28 =	simm.s32 $0x4;
	v30 =	vor.u32 v20, v16;
	v28 =	vld.idx.msk [tilespmem:v18+s14+$0x0], $0xffff  }
0x92: {  	s31 =	simm.s32 $0x10;
	v31 =	vor.u32 v20, v21;
	s29 =	sand.u32 $0x70, s28;
	v16 =	vshll.u32 v25, $0x7;
	v32 =	vld.idx.msk [tilespmem:v24+s14+$0x0], $0xffff  }
0x93: {  	s26 =	sand.u32 $0x30, s31;
	v20 =	vor.u32 v20, v16;
	v16 =	vor.u32 s29, v0  }
0x94: {  	v33 =	vor.u32 s26, v0;
	v29 =	vor.u32 s26, v3;
	v22 =	vld.idx.msk [tilespmem:v17+s14+$0x0], $0xffff;
	v17 =	vshll.u32 v16, $0x7  }
0x95: {  	v21 =	vor.u32 s26, v2;
	v27 =	vor.u32 s26, v1;
	v24 =	vor.u32 v33, v17;
	[tilespmem:v23+s17+$0x0] =	vst.idx.msk $0xffff, v19  }
0x96: {  	v18 =	vor.u32 s26, v7;
	v26 =	vor.u32 v27, v17;
	v25 =	vor.u32 v29, v17;
	[tilespmem:v30+s17+$0x0] =	vst.idx.msk $0xffff, v28  }
0x97: {  	s29 =	simm.s32 $0x20;
	v23 =	vor.u32 v21, v17;
	v19 =	vor.u32 v18, v17;
	v28 =	vshll.u32 v33, $0x7;
	[tilespmem:v31+s17+$0x0] =	vst.idx.msk $0xffff, v32  }
.LBB2_5:
0x98: {  	p0 =	sne.s32 s29, $0x1F0;
	v27 =	vshll.u32 v27, $0x7;
	v29 =	vshll.u32 v29, $0x7;
	v30 =	vor.u32 s26, v9;
	s30 =	smov.u32 s29;
	s29 =	sadd.s32 $0x10, s29  }
0x99: {  	v27 =	vor.u32 v16, v27;
	v29 =	vor.u32 v16, v29;
	[tilespmem:v20+s17+$0x0] =	vst.idx.msk $0xffff, v22  }
0x9a: {  	v22 =	vor.u32 v30, v17;
	v20 =	vld.idx.msk [tilespmem:v24+s14+$0x0], $0xffff  }
0x9b: {  	v24 =	vld.idx.msk [tilespmem:v26+s14+$0x0], $0xffff;
	v26 =	vor.u32 v16, v28  }
0x9c: {  	v21 =	vshll.u32 v21, $0x7;
	v23 =	vld.idx.msk [tilespmem:v23+s14+$0x0], $0xffff  }
0x9d: {  	v21 =	vor.u32 v16, v21;
	v25 =	vld.idx.msk [tilespmem:v25+s14+$0x0], $0xffff  }
0x9e: {  	v28 =	vor.u32 s26, v4  }
0x9f: {  	v32 =	vor.u32 s26, v5;
	v31 =	vor.u32 v28, v17  }
0xa0: {  	[tilespmem:v26+s17+$0x0] =	vst.idx.msk $0xffff, v20;
	v20 =	vor.u32 v32, v17  }
0xa1: {  	[tilespmem:v27+s17+$0x0] =	vst.idx.msk $0xffff, v24;
	v24 =	vor.u32 s26, v8  }
0xa2: {  	[tilespmem:v21+s17+$0x0] =	vst.idx.msk $0xffff, v23;
	v21 =	vor.u32 v24, v17  }
0xa3: {  	[tilespmem:v29+s17+$0x0] =	vst.idx.msk $0xffff, v25  }
0xa4: {  	v25 =	vshll.u32 v28, $0x7;
	v23 =	vld.idx.msk [tilespmem:v31+s14+$0x0], $0xffff  }
0xa5: {  	v26 =	vshll.u32 v32, $0x7;
	v25 =	vor.u32 v16, v25;
	v20 =	vld.idx.msk [tilespmem:v20+s14+$0x0], $0xffff  }
0xa6: {  	v18 =	vshll.u32 v18, $0x7;
	v26 =	vor.u32 v16, v26;
	v19 =	vld.idx.msk [tilespmem:v19+s14+$0x0], $0xffff  }
0xa7: {  	v18 =	vor.u32 v16, v18;
	v24 =	vshll.u32 v24, $0x7;
	v21 =	vld.idx.msk [tilespmem:v21+s14+$0x0], $0xffff  }
0xa8: {  	v27 =	vor.u32 s26, v6;
	v24 =	vor.u32 v16, v24  }
0xa9: {  	v28 =	vor.u32 v27, v17  }
0xaa: {  	[tilespmem:v25+s17+$0x0] =	vst.idx.msk $0xffff, v23;
	v23 =	vor.u32 s26, v10  }
0xab: {  	v25 =	vor.u32 s26, v11;
	[tilespmem:v26+s17+$0x0] =	vst.idx.msk $0xffff, v20;
	v20 =	vor.u32 v23, v17  }
0xac: {  	[tilespmem:v18+s17+$0x0] =	vst.idx.msk $0xffff, v19;
	v18 =	vor.u32 v25, v17  }
0xad: {  	[tilespmem:v24+s17+$0x0] =	vst.idx.msk $0xffff, v21  }
0xae: {  	v21 =	vshll.u32 v27, $0x7;
	v19 =	vld.idx.msk [tilespmem:v28+s14+$0x0], $0xffff  }
0xaf: {  	v24 =	vshll.u32 v30, $0x7;
	v21 =	vor.u32 v16, v21;
	v22 =	vld.idx.msk [tilespmem:v22+s14+$0x0], $0xffff  }
0xb0: {  	v23 =	vshll.u32 v23, $0x7;
	v24 =	vor.u32 v16, v24;
	v20 =	vld.idx.msk [tilespmem:v20+s14+$0x0], $0xffff  }
0xb1: {  	v23 =	vor.u32 v16, v23;
	v25 =	vshll.u32 v25, $0x7;
	v18 =	vld.idx.msk [tilespmem:v18+s14+$0x0], $0xffff  }
0xb2: {  	v26 =	vor.u32 s26, v12;
	v25 =	vor.u32 v16, v25  }
0xb3: {  	v27 =	vor.u32 v26, v17;
	v28 =	vor.u32 s26, v13  }
0xb4: {  	[tilespmem:v21+s17+$0x0] =	vst.idx.msk $0xffff, v19;
	v19 =	vor.u32 v28, v17;
	v21 =	vor.u32 s26, v14  }
0xb5: {  	[tilespmem:v24+s17+$0x0] =	vst.idx.msk $0xffff, v22;
	v22 =	vor.u32 v21, v17;
	v24 =	vor.u32 s26, v15;
	v21 =	vshll.u32 v21, $0x7  }
0xb6: {  	[tilespmem:v23+s17+$0x0] =	vst.idx.msk $0xffff, v20;
	v17 =	vor.u32 v24, v17;
	v30 =	vor.u32 v16, v21;
	v20 =	vshll.u32 v24, $0x7  }
0xb7: {  	[tilespmem:v25+s17+$0x0] =	vst.idx.msk $0xffff, v18;
	v20 =	vor.u32 v16, v20  }
0xb8: {  	v18 =	vshll.u32 v26, $0x7;
	v23 =	vld.idx.msk [tilespmem:v27+s14+$0x0], $0xffff  }
0xb9: {  	v25 =	vor.u32 v16, v18;
	v18 =	vshll.u32 v28, $0x7;
	v19 =	vld.idx.msk [tilespmem:v19+s14+$0x0], $0xffff  }
0xba: {  	s28 =	sadd.s32 $0x4, s28;
	v28 =	vor.u32 v16, v18;
	v31 =	vld.idx.msk [tilespmem:v22+s14+$0x0], $0xffff  }
0xbb: {  	s26 =	sand.u32 $0x70, s28;
	v22 =	vld.idx.msk [tilespmem:v17+s14+$0x0], $0xffff  }
.Ltmp1:
0xbc: {  	v16 =	vor.u32 s26, v0;
	s26 =	sand.u32 $0x30, s30;
	(pc) =	sbr.rel @p0 .LBB2_5-.Ltmp1, $4  }
0xbd: {  	v32 =	vor.u32 s26, v0;
	v21 =	vor.u32 s26, v2;
	v17 =	vshll.u32 v16, $0x7  }
0xbe: {  	v27 =	vor.u32 s26, v1;
	v18 =	vor.u32 s26, v7;
	v24 =	vor.u32 v32, v17;
	[tilespmem:v25+s17+$0x0] =	vst.idx.msk $0xffff, v23  }
0xbf: {  	v29 =	vor.u32 s26, v3;
	v26 =	vor.u32 v27, v17;
	v23 =	vor.u32 v21, v17;
	[tilespmem:v28+s17+$0x0] =	vst.idx.msk $0xffff, v19  }
0xc0: {  	v25 =	vor.u32 v29, v17;
	v28 =	vshll.u32 v32, $0x7;
	v19 =	vor.u32 v18, v17;
	[tilespmem:v30+s17+$0x0] =	vst.idx.msk $0xffff, v31  }
0xc1: {  	_ =	sdelay $0x3  }
0xc2: {  	[tilespmem:v20+s17+$0x0] =	vst.idx.msk $0xffff, v22  }
0xc3: {  	v20 =	vshll.u32 v27, $0x7;
	v41 =	vor.u32 v16, v28;
	v22 =	vld.idx.msk [tilespmem:v24+s14+$0x0], $0xffff  }
0xc4: {  	v21 =	vshll.u32 v21, $0x7;
	v20 =	vor.u32 v16, v20;
	v26 =	vld.idx.msk [tilespmem:v26+s14+$0x0], $0xffff  }
0xc5: {  	v42 =	vshll.u32 v29, $0x7;
	v23 =	vld.idx.msk [tilespmem:v23+s14+$0x0], $0xffff;
	v21 =	vor.u32 v16, v21  }
0xc6: {  	v43 =	vor.u32 s26, v4;
	v27 =	vor.u32 v16, v42;
	v25 =	vld.idx.msk [tilespmem:v25+s14+$0x0], $0xffff  }
0xc7: {  	v30 =	vor.u32 s26, v5;
	v44 =	vor.u32 v43, v17  }
0xc8: {  	v45 =	vor.u32 v30, v17;
	[tilespmem:v41+s17+$0x0] =	vst.idx.msk $0xffff, v22  }
0xc9: {  	[tilespmem:v20+s17+$0x0] =	vst.idx.msk $0xffff, v26;
	v20 =	vor.u32 s26, v8  }
0xca: {  	[tilespmem:v21+s17+$0x0] =	vst.idx.msk $0xffff, v23;
	v46 =	vor.u32 v20, v17  }
0xcb: {  	v47 =	vshll.u32 v43, $0x7;
	[tilespmem:v27+s17+$0x0] =	vst.idx.msk $0xffff, v25  }
0xcc: {  	v48 =	vshll.u32 v30, $0x7;
	v23 =	vor.u32 v16, v47;
	v24 =	vld.idx.msk [tilespmem:v44+s14+$0x0], $0xffff  }
0xcd: {  	v18 =	vshll.u32 v18, $0x7;
	v25 =	vor.u32 v16, v48;
	v22 =	vld.idx.msk [tilespmem:v45+s14+$0x0], $0xffff  }
0xce: {  	v18 =	vor.u32 v16, v18;
	v20 =	vshll.u32 v20, $0x7;
	v19 =	vld.idx.msk [tilespmem:v19+s14+$0x0], $0xffff  }
0xcf: {  	v49 =	vor.u32 s26, v6;
	v20 =	vor.u32 v16, v20;
	v21 =	vld.idx.msk [tilespmem:v46+s14+$0x0], $0xffff  }
0xd0: {  	v50 =	vor.u32 s26, v9;
	v51 =	vor.u32 v49, v17  }
0xd1: {  	v53 =	vor.u32 s26, v10;
	v52 =	vor.u32 v50, v17;
	[tilespmem:v23+s17+$0x0] =	vst.idx.msk $0xffff, v24  }
0xd2: {  	v55 =	vor.u32 s26, v11;
	v54 =	vor.u32 v53, v17;
	[tilespmem:v25+s17+$0x0] =	vst.idx.msk $0xffff, v22  }
0xd3: {  	[tilespmem:v18+s17+$0x0] =	vst.idx.msk $0xffff, v19;
	v18 =	vor.u32 v55, v17  }
0xd4: {  	v19 =	vshll.u32 v49, $0x7;
	[tilespmem:v20+s17+$0x0] =	vst.idx.msk $0xffff, v21  }
0xd5: {  	v56 =	vshll.u32 v50, $0x7;
	v19 =	vor.u32 v16, v19;
	v20 =	vld.idx.msk [tilespmem:v51+s14+$0x0], $0xffff  }
0xd6: {  	v23 =	vshll.u32 v53, $0x7;
	v21 =	vor.u32 v16, v56;
	v25 =	vld.idx.msk [tilespmem:v52+s14+$0x0], $0xffff  }
0xd7: {  	v24 =	vshll.u32 v55, $0x7;
	v23 =	vor.u32 v16, v23;
	v22 =	vld.idx.msk [tilespmem:v54+s14+$0x0], $0xffff  }
0xd8: {  	v57 =	vor.u32 s26, v12;
	v24 =	vor.u32 v16, v24;
	v18 =	vld.idx.msk [tilespmem:v18+s14+$0x0], $0xffff  }
0xd9: {  	v59 =	vor.u32 s26, v13;
	v58 =	vor.u32 v57, v17  }
0xda: {  	[tilespmem:v19+s17+$0x0] =	vst.idx.msk $0xffff, v20;
	v19 =	vor.u32 v59, v17;
	v20 =	vor.u32 s26, v14  }
0xdb: {  	v61 =	vor.u32 s26, v15;
	[tilespmem:v21+s17+$0x0] =	vst.idx.msk $0xffff, v25;
	v60 =	vor.u32 v20, v17  }
0xdc: {  	v17 =	vor.u32 v61, v17;
	[tilespmem:v23+s17+$0x0] =	vst.idx.msk $0xffff, v22  }
0xdd: {  	[tilespmem:v24+s17+$0x0] =	vst.idx.msk $0xffff, v18;
	v18 =	vshll.u32 v57, $0x7  }
0xde: {  	v62 =	vshll.u32 v59, $0x7;
	v22 =	vld.idx.msk [tilespmem:v58+s14+$0x0], $0xffff;
	v18 =	vor.u32 v16, v18  }
0xdf: {  	v20 =	vshll.u32 v20, $0x7;
	v23 =	vor.u32 v16, v62;
	v19 =	vld.idx.msk [tilespmem:v19+s14+$0x0], $0xffff  }
0xe0: {  	v63 =	vshll.u32 v61, $0x7;
	v20 =	vor.u32 v16, v20;
	v21 =	vld.idx.msk [tilespmem:v60+s14+$0x0], $0xffff  }
0xe1: {  	v16 =	vor.u32 v16, v63;
	v17 =	vld.idx.msk [tilespmem:v17+s14+$0x0], $0xffff;
	_ =	sdelay $0x1  }
0xe2: {  	s31 =	sshll.u32 s23, $0x13;
	[tilespmem:v18+s17+$0x0] =	vst.idx.msk $0xffff, v22  }
0xe3: {  	s26 =	sor.u32 s6, s31;
	[tilespmem:v23+s17+$0x0] =	vst.idx.msk $0xffff, v19  }
0xe4: {  	s26 =	sshrl.u32 s26, $0x3;
	[tilespmem:v20+s17+$0x0] =	vst.idx.msk $0xffff, v21  }
0xe5: {  	p0 =	seq.s32 s23, $0x63;
	s26 =	sadd.s32 s4, s26;
	[tilespmem:v16+s17+$0x0] =	vst.idx.msk $0xffff, v17  }
0xe6: {  	[hbm4b:s26+s11] =	stream.strided.scatter [tilespmem:s17], [sflag:$0x3], $0x2000, s12, s11, $0x38;
	[tilespmem:$0x15800] =	vst v63  }
0xe7: {  	s26 =	sshll.u32 @!p0 s23, $0x8  }
0xe8: {  	p1 =	seq.s32 @!p0 s23, $0x0;
	s26 =	sand.u32 @!p0 $0x3FFFFF00, s26  }
0xe9: {  	s28 =	simm.s32 @!p0 $0x80;
	s29 =	simm.s32 @!p0 $0x6400;
	s26 =	sadd.s32 @!p0 $0x100, s26  }
0xea: {  	[tilespmem:s29], [sflag:$0x1] =	stream.indirect.gather @!p0 [hbm4b:s0+s28], $0x80, s26, s28, $0xb8;
	[tilespmem:$0x15800] =	vst v63  }
0xeb: {  	p0 =	por p0, !p1  }
0xec: {  	_ =	swait.ge @p0 [sflag:s21], $0x2000  }
0xed: {  	[sflag:s21] =	ssyncset.done @p0 $0x0  }
0xee: {  	[sflag:s21] =	ssyncadd.s32 @p0 $0xFFFFE000  }
0xef: {  	_ =	swait.ge [sflag:s18], $0x4000  }
0xf0: {  	[sflag:s18] =	ssyncset.done $0x0  }
0xf1: {  	[sflag:s18] =	ssyncadd.s32 $0xFFFFC000  }
0xf2: {  	v19 =	vld [tilespmem:s25+$0x12470]  }
0xf3: {  	v18 =	vld [tilespmem:s25+$0x12440]  }
0xf4: {  	v17 =	vld [tilespmem:s25+$0x12450]  }
0xf5: {  	v16 =	vld [tilespmem:s25+$0x12460]  }
0xf6: {  	s26 =	simm.s32 $0x0;
	s28 =	simm.s32 $0x1000;
	s25 =	simm.s32 $0x0  }
.LBB2_7:
0xf7: {  	p0 =	sne.s32 s28, $0xF000;
	[tilespmem:s25+$0xA7B0] =	vst.add.f32.msk $0xffff, v19  }
0xf8: {  	[tilespmem:s25+$0xA400] =	vst.add.f32.msk $0xffff, v18  }
0xf9: {  	[tilespmem:s25+$0xA410] =	vst.add.f32.msk $0xffff, v17  }
0xfa: {  	[tilespmem:s25+$0xA420] =	vst.add.f32.msk $0xffff, v16  }
0xfb: {  	[tilespmem:s25+$0xA430] =	vst.add.f32.msk $0xffff, v19  }
0xfc: {  	[tilespmem:s25+$0xA480] =	vst.add.f32.msk $0xffff, v18  }
0xfd: {  	[tilespmem:s25+$0xA490] =	vst.add.f32.msk $0xffff, v17  }
0xfe: {  	[tilespmem:s25+$0xA4A0] =	vst.add.f32.msk $0xffff, v16  }
0xff: {  	[tilespmem:s25+$0xA4B0] =	vst.add.f32.msk $0xffff, v19  }
0x100: {  	[tilespmem:s25+$0xA500] =	vst.add.f32.msk $0xffff, v18  }
0x101: {  	[tilespmem:s25+$0xA510] =	vst.add.f32.msk $0xffff, v17  }
0x102: {  	[tilespmem:s25+$0xA520] =	vst.add.f32.msk $0xffff, v16  }
0x103: {  	[tilespmem:s25+$0xA530] =	vst.add.f32.msk $0xffff, v19  }
0x104: {  	[tilespmem:s25+$0xA580] =	vst.add.f32.msk $0xffff, v18  }
0x105: {  	[tilespmem:s25+$0xA590] =	vst.add.f32.msk $0xffff, v17  }
0x106: {  	[tilespmem:s25+$0xA5A0] =	vst.add.f32.msk $0xffff, v16  }
0x107: {  	[tilespmem:s25+$0xA5B0] =	vst.add.f32.msk $0xffff, v19  }
0x108: {  	[tilespmem:s25+$0xA600] =	vst.add.f32.msk $0xffff, v18  }
0x109: {  	[tilespmem:s25+$0xA610] =	vst.add.f32.msk $0xffff, v17  }
0x10a: {  	[tilespmem:s25+$0xA620] =	vst.add.f32.msk $0xffff, v16  }
0x10b: {  	[tilespmem:s25+$0xA630] =	vst.add.f32.msk $0xffff, v19  }
0x10c: {  	[tilespmem:s25+$0xA680] =	vst.add.f32.msk $0xffff, v18  }
0x10d: {  	[tilespmem:s25+$0xA690] =	vst.add.f32.msk $0xffff, v17  }
0x10e: {  	[tilespmem:s25+$0xA6A0] =	vst.add.f32.msk $0xffff, v16  }
0x10f: {  	[tilespmem:s25+$0xA6B0] =	vst.add.f32.msk $0xffff, v19  }
0x110: {  	[tilespmem:s25+$0xA700] =	vst.add.f32.msk $0xffff, v18  }
0x111: {  	[tilespmem:s25+$0xA710] =	vst.add.f32.msk $0xffff, v17  }
.Ltmp2:
0x112: {  	[tilespmem:s25+$0xA720] =	vst.add.f32.msk $0xffff, v16;
	(pc) =	sbr.rel @p0 .LBB2_7-.Ltmp2, $4  }
0x113: {  	[tilespmem:s25+$0xA730] =	vst.add.f32.msk $0xffff, v19  }
0x114: {  	[tilespmem:s25+$0xA780] =	vst.add.f32.msk $0xffff, v18  }
0x115: {  	[tilespmem:s25+$0xA790] =	vst.add.f32.msk $0xffff, v17  }
0x116: {  	[tilespmem:s25+$0xA7A0] =	vst.add.f32.msk $0xffff, v16;
	s25 =	sshra.s32 s28, $0x2;
	s28 =	sadd.s32 $0x1000, s28  }
0x117: {  	[tilespmem:s25+$0xA7B0] =	vst.add.f32.msk $0xffff, v19  }
0x118: {  	[tilespmem:s25+$0xA400] =	vst.add.f32.msk $0xffff, v18  }
0x119: {  	[tilespmem:s25+$0xA410] =	vst.add.f32.msk $0xffff, v17  }
0x11a: {  	[tilespmem:s25+$0xA420] =	vst.add.f32.msk $0xffff, v16  }
0x11b: {  	[tilespmem:s25+$0xA430] =	vst.add.f32.msk $0xffff, v19  }
0x11c: {  	[tilespmem:s25+$0xA480] =	vst.add.f32.msk $0xffff, v18  }
0x11d: {  	[tilespmem:s25+$0xA490] =	vst.add.f32.msk $0xffff, v17  }
0x11e: {  	[tilespmem:s25+$0xA4A0] =	vst.add.f32.msk $0xffff, v16  }
0x11f: {  	[tilespmem:s25+$0xA4B0] =	vst.add.f32.msk $0xffff, v19  }
0x120: {  	[tilespmem:s25+$0xA500] =	vst.add.f32.msk $0xffff, v18  }
0x121: {  	[tilespmem:s25+$0xA510] =	vst.add.f32.msk $0xffff, v17  }
0x122: {  	[tilespmem:s25+$0xA520] =	vst.add.f32.msk $0xffff, v16  }
0x123: {  	[tilespmem:s25+$0xA530] =	vst.add.f32.msk $0xffff, v19  }
0x124: {  	[tilespmem:s25+$0xA580] =	vst.add.f32.msk $0xffff, v18  }
0x125: {  	[tilespmem:s25+$0xA590] =	vst.add.f32.msk $0xffff, v17  }
0x126: {  	[tilespmem:s25+$0xA5A0] =	vst.add.f32.msk $0xffff, v16  }
0x127: {  	[tilespmem:s25+$0xA5B0] =	vst.add.f32.msk $0xffff, v19  }
0x128: {  	[tilespmem:s25+$0xA600] =	vst.add.f32.msk $0xffff, v18  }
0x129: {  	[tilespmem:s25+$0xA610] =	vst.add.f32.msk $0xffff, v17  }
0x12a: {  	[tilespmem:s25+$0xA620] =	vst.add.f32.msk $0xffff, v16  }
0x12b: {  	[tilespmem:s25+$0xA630] =	vst.add.f32.msk $0xffff, v19  }
0x12c: {  	[tilespmem:s25+$0xA680] =	vst.add.f32.msk $0xffff, v18  }
0x12d: {  	[tilespmem:s25+$0xA690] =	vst.add.f32.msk $0xffff, v17  }
0x12e: {  	[tilespmem:s25+$0xA6A0] =	vst.add.f32.msk $0xffff, v16  }
0x12f: {  	[tilespmem:s25+$0xA6B0] =	vst.add.f32.msk $0xffff, v19;
	s28 =	sand.u32 $0x70, s26  }
0x130: {  	[tilespmem:s25+$0xA700] =	vst.add.f32.msk $0xffff, v18;
	s30 =	sand.u32 $0x30, s26;
	v20 =	vor.u32 s28, v0  }
0x131: {  	[tilespmem:s25+$0xA710] =	vst.add.f32.msk $0xffff, v17;
	v21 =	vor.u32 s30, v0;
	v22 =	vshll.u32 v20, $0x7  }
0x132: {  	[tilespmem:s25+$0xA720] =	vst.add.f32.msk $0xffff, v16;
	v24 =	vor.u32 s30, v1;
	v23 =	vor.u32 v21, v22  }
0x133: {  	[tilespmem:s25+$0xA730] =	vst.add.f32.msk $0xffff, v19;
	v19 =	vor.u32 s30, v2;
	v25 =	vor.u32 v24, v22  }
0x134: {  	[tilespmem:s25+$0xA780] =	vst.add.f32.msk $0xffff, v18;
	v26 =	vor.u32 s30, v3;
	v18 =	vor.u32 v19, v22  }
0x135: {  	[tilespmem:s25+$0xA790] =	vst.add.f32.msk $0xffff, v17;
	v17 =	vor.u32 v26, v22  }
0x136: {  	[tilespmem:s25+$0xA7A0] =	vst.add.f32.msk $0xffff, v16;
	v16 =	vshll.u32 v21, $0x7  }
0x137: {  	v21 =	vshll.u32 v24, $0x7;
	v16 =	vor.u32 v20, v16;
	v23 =	vld.idx.msk [tilespmem:v23+s15+$0x0], $0xffff  }
0x138: {  	v19 =	vshll.u32 v19, $0x7;
	v21 =	vor.u32 v20, v21;
	v24 =	vld.idx.msk [tilespmem:v25+s15+$0x0], $0xffff  }
0x139: {  	v19 =	vor.u32 v20, v19;
	v25 =	vshll.u32 v26, $0x7;
	v18 =	vld.idx.msk [tilespmem:v18+s15+$0x0], $0xffff  }
0x13a: {  	v17 =	vld.idx.msk [tilespmem:v17+s15+$0x0], $0xffff;
	v26 =	vor.u32 s30, v4;
	v25 =	vor.u32 v20, v25  }
0x13b: {  	v28 =	vor.u32 s30, v5;
	v27 =	vor.u32 v26, v22  }
0x13c: {  	v29 =	vor.u32 s30, v7;
	[tilespmem:v16+s19+$0x0] =	vst.idx.msk $0xffff, v23;
	v16 =	vor.u32 v28, v22  }
0x13d: {  	v23 =	vor.u32 v29, v22;
	[tilespmem:v21+s19+$0x0] =	vst.idx.msk $0xffff, v24;
	v21 =	vor.u32 s30, v8  }
0x13e: {  	[tilespmem:v19+s19+$0x0] =	vst.idx.msk $0xffff, v18;
	v18 =	vor.u32 v21, v22  }
0x13f: {  	[tilespmem:v25+s19+$0x0] =	vst.idx.msk $0xffff, v17;
	v17 =	vshll.u32 v26, $0x7  }
0x140: {  	v24 =	vshll.u32 v28, $0x7;
	v19 =	vld.idx.msk [tilespmem:v27+s15+$0x0], $0xffff;
	v17 =	vor.u32 v20, v17  }
0x141: {  	v24 =	vor.u32 v20, v24;
	v25 =	vshll.u32 v29, $0x7;
	v16 =	vld.idx.msk [tilespmem:v16+s15+$0x0], $0xffff  }
0x142: {  	v21 =	vshll.u32 v21, $0x7;
	v25 =	vor.u32 v20, v25;
	v23 =	vld.idx.msk [tilespmem:v23+s15+$0x0], $0xffff  }
0x143: {  	v21 =	vor.u32 v20, v21;
	v26 =	vor.u32 s30, v6;
	v18 =	vld.idx.msk [tilespmem:v18+s15+$0x0], $0xffff  }
0x144: {  	v27 =	vor.u32 s30, v9;
	v28 =	vor.u32 v26, v22  }
0x145: {  	v29 =	vor.u32 v27, v22;
	[tilespmem:v17+s19+$0x0] =	vst.idx.msk $0xffff, v19;
	v17 =	vor.u32 s30, v10  }
0x146: {  	v19 =	vor.u32 s30, v11;
	[tilespmem:v24+s19+$0x0] =	vst.idx.msk $0xffff, v16;
	v16 =	vor.u32 v17, v22  }
0x147: {  	[tilespmem:v25+s19+$0x0] =	vst.idx.msk $0xffff, v23;
	v23 =	vor.u32 v19, v22  }
0x148: {  	[tilespmem:v21+s19+$0x0] =	vst.idx.msk $0xffff, v18;
	v18 =	vshll.u32 v26, $0x7  }
0x149: {  	v24 =	vshll.u32 v27, $0x7;
	v21 =	vld.idx.msk [tilespmem:v28+s15+$0x0], $0xffff;
	v18 =	vor.u32 v20, v18  }
0x14a: {  	v17 =	vshll.u32 v17, $0x7;
	v24 =	vor.u32 v20, v24;
	v25 =	vld.idx.msk [tilespmem:v29+s15+$0x0], $0xffff  }
0x14b: {  	v17 =	vor.u32 v20, v17;
	v19 =	vshll.u32 v19, $0x7;
	v16 =	vld.idx.msk [tilespmem:v16+s15+$0x0], $0xffff  }
0x14c: {  	v19 =	vor.u32 v20, v19;
	v26 =	vor.u32 s30, v12;
	v23 =	vld.idx.msk [tilespmem:v23+s15+$0x0], $0xffff  }
0x14d: {  	v27 =	vor.u32 v26, v22;
	v28 =	vor.u32 s30, v13  }
0x14e: {  	[tilespmem:v18+s19+$0x0] =	vst.idx.msk $0xffff, v21;
	v18 =	vor.u32 v28, v22;
	v21 =	vor.u32 s30, v14  }
0x14f: {  	[tilespmem:v24+s19+$0x0] =	vst.idx.msk $0xffff, v25;
	v24 =	vor.u32 v21, v22  }
0x150: {  	v25 =	vor.u32 s30, v15;
	[tilespmem:v17+s19+$0x0] =	vst.idx.msk $0xffff, v16  }
0x151: {  	v17 =	vor.u32 v25, v22;
	v16 =	vshll.u32 v26, $0x7;
	[tilespmem:v19+s19+$0x0] =	vst.idx.msk $0xffff, v23  }
0x152: {  	v23 =	vor.u32 v20, v16;
	v16 =	vshll.u32 v28, $0x7;
	v19 =	vld.idx.msk [tilespmem:v27+s15+$0x0], $0xffff  }
0x153: {  	s26 =	simm.s32 $0x4;
	v21 =	vshll.u32 v21, $0x7;
	v30 =	vor.u32 v20, v16;
	v28 =	vld.idx.msk [tilespmem:v18+s15+$0x0], $0xffff  }
0x154: {  	s31 =	simm.s32 $0x10;
	s28 =	sand.u32 $0x70, s26;
	v31 =	vor.u32 v20, v21;
	v16 =	vshll.u32 v25, $0x7;
	v32 =	vld.idx.msk [tilespmem:v24+s15+$0x0], $0xffff  }
0x155: {  	s25 =	sand.u32 $0x30, s31;
	v20 =	vor.u32 v20, v16;
	v16 =	vor.u32 s28, v0  }
0x156: {  	v33 =	vor.u32 s25, v0;
	v29 =	vor.u32 s25, v3;
	v22 =	vld.idx.msk [tilespmem:v17+s15+$0x0], $0xffff;
	v17 =	vshll.u32 v16, $0x7  }
0x157: {  	v21 =	vor.u32 s25, v2;
	v27 =	vor.u32 s25, v1;
	v24 =	vor.u32 v33, v17;
	[tilespmem:v23+s19+$0x0] =	vst.idx.msk $0xffff, v19  }
0x158: {  	v18 =	vor.u32 s25, v7;
	v26 =	vor.u32 v27, v17;
	v25 =	vor.u32 v29, v17;
	[tilespmem:v30+s19+$0x0] =	vst.idx.msk $0xffff, v28  }
0x159: {  	s28 =	simm.s32 $0x20;
	v23 =	vor.u32 v21, v17;
	v19 =	vor.u32 v18, v17;
	v28 =	vshll.u32 v33, $0x7;
	[tilespmem:v31+s19+$0x0] =	vst.idx.msk $0xffff, v32  }
.LBB2_9:
0x15a: {  	p0 =	sne.s32 s28, $0x1F0;
	v27 =	vshll.u32 v27, $0x7;
	v29 =	vshll.u32 v29, $0x7;
	v30 =	vor.u32 s25, v9;
	s29 =	smov.u32 s28;
	s28 =	sadd.s32 $0x10, s28  }
0x15b: {  	v27 =	vor.u32 v16, v27;
	v29 =	vor.u32 v16, v29;
	[tilespmem:v20+s19+$0x0] =	vst.idx.msk $0xffff, v22  }
0x15c: {  	v22 =	vor.u32 v30, v17;
	v20 =	vld.idx.msk [tilespmem:v24+s15+$0x0], $0xffff  }
0x15d: {  	v24 =	vld.idx.msk [tilespmem:v26+s15+$0x0], $0xffff;
	v26 =	vor.u32 v16, v28  }
0x15e: {  	v21 =	vshll.u32 v21, $0x7;
	v23 =	vld.idx.msk [tilespmem:v23+s15+$0x0], $0xffff  }
0x15f: {  	v21 =	vor.u32 v16, v21;
	v25 =	vld.idx.msk [tilespmem:v25+s15+$0x0], $0xffff  }
0x160: {  	v28 =	vor.u32 s25, v4  }
0x161: {  	v32 =	vor.u32 s25, v5;
	v31 =	vor.u32 v28, v17  }
0x162: {  	[tilespmem:v26+s19+$0x0] =	vst.idx.msk $0xffff, v20;
	v20 =	vor.u32 v32, v17  }
0x163: {  	[tilespmem:v27+s19+$0x0] =	vst.idx.msk $0xffff, v24;
	v24 =	vor.u32 s25, v8  }
0x164: {  	[tilespmem:v21+s19+$0x0] =	vst.idx.msk $0xffff, v23;
	v21 =	vor.u32 v24, v17  }
0x165: {  	[tilespmem:v29+s19+$0x0] =	vst.idx.msk $0xffff, v25  }
0x166: {  	v25 =	vshll.u32 v28, $0x7;
	v23 =	vld.idx.msk [tilespmem:v31+s15+$0x0], $0xffff  }
0x167: {  	v26 =	vshll.u32 v32, $0x7;
	v25 =	vor.u32 v16, v25;
	v20 =	vld.idx.msk [tilespmem:v20+s15+$0x0], $0xffff  }
0x168: {  	v18 =	vshll.u32 v18, $0x7;
	v26 =	vor.u32 v16, v26;
	v19 =	vld.idx.msk [tilespmem:v19+s15+$0x0], $0xffff  }
0x169: {  	v18 =	vor.u32 v16, v18;
	v24 =	vshll.u32 v24, $0x7;
	v21 =	vld.idx.msk [tilespmem:v21+s15+$0x0], $0xffff  }
0x16a: {  	v27 =	vor.u32 s25, v6;
	v24 =	vor.u32 v16, v24  }
0x16b: {  	v28 =	vor.u32 v27, v17  }
0x16c: {  	[tilespmem:v25+s19+$0x0] =	vst.idx.msk $0xffff, v23;
	v23 =	vor.u32 s25, v10  }
0x16d: {  	v25 =	vor.u32 s25, v11;
	[tilespmem:v26+s19+$0x0] =	vst.idx.msk $0xffff, v20;
	v20 =	vor.u32 v23, v17  }
0x16e: {  	[tilespmem:v18+s19+$0x0] =	vst.idx.msk $0xffff, v19;
	v18 =	vor.u32 v25, v17  }
0x16f: {  	[tilespmem:v24+s19+$0x0] =	vst.idx.msk $0xffff, v21  }
0x170: {  	v21 =	vshll.u32 v27, $0x7;
	v19 =	vld.idx.msk [tilespmem:v28+s15+$0x0], $0xffff  }
0x171: {  	v24 =	vshll.u32 v30, $0x7;
	v21 =	vor.u32 v16, v21;
	v22 =	vld.idx.msk [tilespmem:v22+s15+$0x0], $0xffff  }
0x172: {  	v23 =	vshll.u32 v23, $0x7;
	v24 =	vor.u32 v16, v24;
	v20 =	vld.idx.msk [tilespmem:v20+s15+$0x0], $0xffff  }
0x173: {  	v23 =	vor.u32 v16, v23;
	v25 =	vshll.u32 v25, $0x7;
	v18 =	vld.idx.msk [tilespmem:v18+s15+$0x0], $0xffff  }
0x174: {  	v26 =	vor.u32 s25, v12;
	v25 =	vor.u32 v16, v25  }
0x175: {  	v27 =	vor.u32 v26, v17;
	v28 =	vor.u32 s25, v13  }
0x176: {  	[tilespmem:v21+s19+$0x0] =	vst.idx.msk $0xffff, v19;
	v19 =	vor.u32 v28, v17;
	v21 =	vor.u32 s25, v14  }
0x177: {  	[tilespmem:v24+s19+$0x0] =	vst.idx.msk $0xffff, v22;
	v22 =	vor.u32 v21, v17;
	v24 =	vor.u32 s25, v15;
	v21 =	vshll.u32 v21, $0x7  }
0x178: {  	[tilespmem:v23+s19+$0x0] =	vst.idx.msk $0xffff, v20;
	v17 =	vor.u32 v24, v17;
	v30 =	vor.u32 v16, v21;
	v20 =	vshll.u32 v24, $0x7  }
0x179: {  	[tilespmem:v25+s19+$0x0] =	vst.idx.msk $0xffff, v18;
	v20 =	vor.u32 v16, v20  }
0x17a: {  	v18 =	vshll.u32 v26, $0x7;
	v23 =	vld.idx.msk [tilespmem:v27+s15+$0x0], $0xffff  }
0x17b: {  	v25 =	vor.u32 v16, v18;
	v18 =	vshll.u32 v28, $0x7;
	v19 =	vld.idx.msk [tilespmem:v19+s15+$0x0], $0xffff  }
0x17c: {  	s26 =	sadd.s32 $0x4, s26;
	v28 =	vor.u32 v16, v18;
	v31 =	vld.idx.msk [tilespmem:v22+s15+$0x0], $0xffff  }
0x17d: {  	s25 =	sand.u32 $0x70, s26;
	v22 =	vld.idx.msk [tilespmem:v17+s15+$0x0], $0xffff  }
.Ltmp3:
0x17e: {  	v16 =	vor.u32 s25, v0;
	s25 =	sand.u32 $0x30, s29;
	(pc) =	sbr.rel @p0 .LBB2_9-.Ltmp3, $4  }
0x17f: {  	v32 =	vor.u32 s25, v0;
	v21 =	vor.u32 s25, v2;
	v17 =	vshll.u32 v16, $0x7  }
0x180: {  	v27 =	vor.u32 s25, v1;
	v18 =	vor.u32 s25, v7;
	v24 =	vor.u32 v32, v17;
	[tilespmem:v25+s19+$0x0] =	vst.idx.msk $0xffff, v23  }
0x181: {  	v29 =	vor.u32 s25, v3;
	v26 =	vor.u32 v27, v17;
	v23 =	vor.u32 v21, v17;
	[tilespmem:v28+s19+$0x0] =	vst.idx.msk $0xffff, v19  }
0x182: {  	v25 =	vor.u32 v29, v17;
	v28 =	vshll.u32 v32, $0x7;
	v19 =	vor.u32 v18, v17;
	[tilespmem:v30+s19+$0x0] =	vst.idx.msk $0xffff, v31  }
0x183: {  	_ =	sdelay $0x3  }
0x184: {  	[tilespmem:v20+s19+$0x0] =	vst.idx.msk $0xffff, v22  }
0x185: {  	v34 =	vshll.u32 v27, $0x7;
	v35 =	vor.u32 v16, v28;
	v22 =	vld.idx.msk [tilespmem:v24+s15+$0x0], $0xffff  }
0x186: {  	v21 =	vshll.u32 v21, $0x7;
	v20 =	vor.u32 v16, v34;
	v26 =	vld.idx.msk [tilespmem:v26+s15+$0x0], $0xffff  }
0x187: {  	v36 =	vshll.u32 v29, $0x7;
	v23 =	vld.idx.msk [tilespmem:v23+s15+$0x0], $0xffff;
	v21 =	vor.u32 v16, v21  }
0x188: {  	v37 =	vor.u32 s25, v4;
	v27 =	vor.u32 v16, v36;
	v25 =	vld.idx.msk [tilespmem:v25+s15+$0x0], $0xffff  }
0x189: {  	v30 =	vor.u32 s25, v5;
	v38 =	vor.u32 v37, v17  }
0x18a: {  	v39 =	vor.u32 v30, v17;
	[tilespmem:v35+s19+$0x0] =	vst.idx.msk $0xffff, v22  }
0x18b: {  	v40 =	vor.u32 s25, v8;
	[tilespmem:v20+s19+$0x0] =	vst.idx.msk $0xffff, v26  }
0x18c: {  	v41 =	vor.u32 v40, v17;
	[tilespmem:v21+s19+$0x0] =	vst.idx.msk $0xffff, v23  }
0x18d: {  	v42 =	vshll.u32 v37, $0x7;
	[tilespmem:v27+s19+$0x0] =	vst.idx.msk $0xffff, v25  }
0x18e: {  	v43 =	vshll.u32 v30, $0x7;
	v23 =	vor.u32 v16, v42;
	v24 =	vld.idx.msk [tilespmem:v38+s15+$0x0], $0xffff  }
0x18f: {  	v18 =	vshll.u32 v18, $0x7;
	v25 =	vor.u32 v16, v43;
	v22 =	vld.idx.msk [tilespmem:v39+s15+$0x0], $0xffff  }
0x190: {  	v18 =	vor.u32 v16, v18;
	v20 =	vshll.u32 v40, $0x7;
	v19 =	vld.idx.msk [tilespmem:v19+s15+$0x0], $0xffff  }
0x191: {  	v44 =	vor.u32 s25, v6;
	v20 =	vor.u32 v16, v20;
	v21 =	vld.idx.msk [tilespmem:v41+s15+$0x0], $0xffff  }
0x192: {  	v45 =	vor.u32 s25, v9;
	v46 =	vor.u32 v44, v17  }
0x193: {  	v48 =	vor.u32 s25, v10;
	v47 =	vor.u32 v45, v17;
	[tilespmem:v23+s19+$0x0] =	vst.idx.msk $0xffff, v24  }
0x194: {  	v50 =	vor.u32 s25, v11;
	v49 =	vor.u32 v48, v17;
	[tilespmem:v25+s19+$0x0] =	vst.idx.msk $0xffff, v22  }
0x195: {  	v51 =	vor.u32 v50, v17;
	[tilespmem:v18+s19+$0x0] =	vst.idx.msk $0xffff, v19  }
0x196: {  	v52 =	vshll.u32 v44, $0x7;
	[tilespmem:v20+s19+$0x0] =	vst.idx.msk $0xffff, v21  }
0x197: {  	v53 =	vshll.u32 v45, $0x7;
	v19 =	vor.u32 v16, v52;
	v20 =	vld.idx.msk [tilespmem:v46+s15+$0x0], $0xffff  }
0x198: {  	v23 =	vshll.u32 v48, $0x7;
	v21 =	vor.u32 v16, v53;
	v25 =	vld.idx.msk [tilespmem:v47+s15+$0x0], $0xffff  }
0x199: {  	v24 =	vshll.u32 v50, $0x7;
	v23 =	vor.u32 v16, v23;
	v22 =	vld.idx.msk [tilespmem:v49+s15+$0x0], $0xffff  }
0x19a: {  	v54 =	vor.u32 s25, v12;
	v24 =	vor.u32 v16, v24;
	v18 =	vld.idx.msk [tilespmem:v51+s15+$0x0], $0xffff  }
0x19b: {  	v56 =	vor.u32 s25, v13;
	v55 =	vor.u32 v54, v17  }
0x19c: {  	v58 =	vor.u32 s25, v14;
	v57 =	vor.u32 v56, v17;
	[tilespmem:v19+s19+$0x0] =	vst.idx.msk $0xffff, v20  }
0x19d: {  	v60 =	vor.u32 s25, v15;
	v59 =	vor.u32 v58, v17;
	[tilespmem:v21+s19+$0x0] =	vst.idx.msk $0xffff, v25  }
0x19e: {  	v17 =	vor.u32 v60, v17;
	[tilespmem:v23+s19+$0x0] =	vst.idx.msk $0xffff, v22  }
0x19f: {  	v61 =	vshll.u32 v54, $0x7;
	[tilespmem:v24+s19+$0x0] =	vst.idx.msk $0xffff, v18  }
0x1a0: {  	v62 =	vshll.u32 v56, $0x7;
	v18 =	vor.u32 v16, v61;
	v22 =	vld.idx.msk [tilespmem:v55+s15+$0x0], $0xffff  }
0x1a1: {  	v20 =	vshll.u32 v58, $0x7;
	v23 =	vor.u32 v16, v62;
	v19 =	vld.idx.msk [tilespmem:v57+s15+$0x0], $0xffff  }
0x1a2: {  	v63 =	vshll.u32 v60, $0x7;
	v20 =	vor.u32 v16, v20;
	v21 =	vld.idx.msk [tilespmem:v59+s15+$0x0], $0xffff  }
0x1a3: {  	s23 =	sadd.s32 $0x1, s23;
	v16 =	vor.u32 v16, v63;
	v17 =	vld.idx.msk [tilespmem:v17+s15+$0x0], $0xffff  }
0x1a4: {  	p0 =	sne.s32 s23, $0x64  }
.Ltmp4:
0x1a5: {  	s24 =	sshll.u32 s24, $0x12;
	[tilespmem:v18+s19+$0x0] =	vst.idx.msk $0xffff, v22;
	(pc) =	sbr.rel @p0 .LBB2_2-.Ltmp4, $4  }
0x1a6: {  	s24 =	sor.u32 s6, s24;
	[tilespmem:v23+s19+$0x0] =	vst.idx.msk $0xffff, v19  }
0x1a7: {  	s24 =	sshrl.u32 s24, $0x3;
	[tilespmem:v20+s19+$0x0] =	vst.idx.msk $0xffff, v21  }
0x1a8: {  	s24 =	sadd.s32 s4, s24;
	[tilespmem:v16+s19+$0x0] =	vst.idx.msk $0xffff, v17  }
0x1a9: {  	[hbm4b:s24+s11] =	stream.strided.scatter [tilespmem:s19], [sflag:$0x4], $0x2000, s12, s11, $0x38;
	[tilespmem:$0x15800] =	vst v63  }
0x1aa: {  	s22 =	sadd.s32 $0x1, s22  }
0x1ab: {  	_ =	swait.ge [sflag:s20], $0x2000;
	p0 =	sne.s32 s22, s8  }
.Ltmp5:
0x1ac: {  	[sflag:s20] =	ssyncset.done $0x0;
	(pc) =	sbr.rel @p0 .LBB2_1-.Ltmp5, $4  }
0x1ad: {  	[sflag:s20] =	ssyncadd.s32 $0xFFFFE000  }
0x1ae: {  	_ =	swait.ge [sflag:s21], $0x2000  }
0x1af: {  	[sflag:s21] =	ssyncset.done $0x0  }
0x1b0: {  	[sflag:s21] =	ssyncadd.s32 $0xFFFFE000  }
0x1b1: {  	_ =	sfence.sel $0x180000  }
0x1b2: {  	[bflag:$0x0] =	sbarrier.arrive $0xFFFF  }
0x1b3: {  	p0 =	sne.s32 s2, $0x0;
	_ =	strace $0x90000047  }
0x1b4: {  	s0 =	sadd.s32 @!p0 $0x100000, s3;
	[bflag:$0x2] =	sbarrier.arrive $0xFFFF  }
0x1b5: {  	[sflag:s0] =	ssyncadd.tile.s32 @!p0 $0x1;
	_ =	shalt  }
.Lfunc_end2:
_tile_overlayer_lowered:
.L_overlay_start_2:
0x1b6: {  	(tag) =	ssettag $0x2  }
0x1b7: {  	s0 =	rddreg [dreg:$0x0];
	s2 =	stileid.u32  }
0x1b8: {  	s1 =	rddreg [dreg:$0x1];
	p0 =	sne.s32 s2, $0x0  }
0x1b9: {  	s3 =	rddreg [dreg:$0x2];
	[bflag:$0x3] =	sbarrier.arrive $0xFFFF;
	s2 =	simm.s32 @!p0 $0x1C05  }
0x1ba: {  	[timem:s3], [sflag:s2] =	dma.local @!p0 [hbm:s0], s1  }
0x1bb: {  	s0 =	simm.s32 @!p0 $0x5  }
0x1bc: {  	_ =	swait.ge @!p0 [sflag:s0], s1  }
0x1bd: {  	s1 =	ssub.s32 @!p0 $0x0, s1;
	[sflag:s0] =	ssyncset.done @!p0 $0x0  }
0x1be: {  	[sflag:s0] =	ssyncadd.s32 @!p0 s1  }
0x1bf: {  	[bflag:$0x3] =	sbarrier.arrive $0xFFFF  }
0x1c0: {  	_ =	shalt  }

</sc_bundles>
